<compile_context>
chip_gen: v7x
topology: tpu7x:2x2x1
jax: 0.10.2.dev20260603
libtpu: 0.0.44.dev20260713+nightly
codegen_flags: <defaults>
</compile_context>

<pallas_src>
import functools

import jax
import jax.numpy as jnp
from jax import lax
from jax.experimental import pallas as pl
from jax.experimental.pallas import tpu as pltpu
from jax.experimental.pallas import tpu_sc as plsc

_BB = 4


def _add_kernel(x_ref, t_ref, o_ref):
    o_ref[...] = x_ref[...] + t_ref[...][None]


def _tc_kernel(x, table):
    batch, num_patches, dim = x.shape
    grid = (batch // _BB,)
    return pl.pallas_call(
        _add_kernel,
        grid=grid,
        in_specs=[
            pl.BlockSpec((_BB, num_patches, dim), lambda b: (b, 0, 0)),
            pl.BlockSpec((num_patches, dim), lambda b: (0, 0)),
        ],
        out_specs=pl.BlockSpec((_BB, num_patches, dim), lambda b: (b, 0, 0)),
        out_shape=jax.ShapeDtypeStruct(x.shape, x.dtype),
        compiler_params=pltpu.CompilerParams(
            dimension_semantics=("parallel",),
        ),
    )(x, table)


_NC, _NS, _LANES = 2, 16, 16
_NW = _NC * _NS


def _sc_call(x2d, table):
    n_rows, dim = x2d.shape
    n_patches = table.shape[0]
    pw = n_patches // _NW
    n_batch = n_rows // n_patches
    mesh = plsc.VectorSubcoreMesh(core_axis_name="c", subcore_axis_name="s")

    @functools.partial(
        pl.kernel,
        out_type=jax.ShapeDtypeStruct((n_rows, dim), jnp.float32),
        mesh=mesh,
        scratch_types=[
            pltpu.VMEM((pw, dim), jnp.float32),
            pltpu.VMEM((pw, dim), jnp.float32),
        ],
    )
    def k(x_hbm, t_hbm, out_hbm, tv, xv):
        wid = lax.axis_index("s") * _NC + lax.axis_index("c")
        tbase = wid * pw
        pltpu.sync_copy(t_hbm.at[pl.ds(tbase, pw)], tv)

        @pl.loop(0, n_batch)
        def _body(b):
            off = b * n_patches + tbase
            pltpu.sync_copy(x_hbm.at[pl.ds(off, pw)], xv)

            @pl.loop(0, pw)
            def _row(i):
                for j in range(dim // _LANES):
                    sl = pl.ds(j * _LANES, _LANES)
                    xv[i, sl] = xv[i, sl] + tv[i, sl]

            pltpu.sync_copy(xv, out_hbm.at[pl.ds(off, pw)])

    return k(x2d, table)


def kernel(x, table):
    batch, num_patches, dim = x.shape
    out = _sc_call(x.reshape(batch * num_patches, dim), table)
    return out.reshape(batch, num_patches, dim)

# --- scband reference (transcript-rebuilt; emitter-appended) ---
"""Pipeline reference for scband-position-embedding-16441134809436 (READ-ONLY COPY).

The authoritative reference and input builder live on the scoring server;
editing this copy changes nothing except your own understanding.
"""

import jax, jax.numpy as jnp
import numpy as np

NUM_PATCHES = 1024
PROJECTION_DIM = 768
BATCH = 64

def setup_inputs(seed: int = 0) -> dict:
    key = jax.random.key(seed)
    k1, k2 = jax.random.split(key)
    x = jax.random.normal(k1, (BATCH, NUM_PATCHES, PROJECTION_DIM), dtype=jnp.float32)
    # Embedding table for positions, init like keras Embedding (uniform)
    table = jax.random.uniform(k2, (NUM_PATCHES, PROJECTION_DIM), dtype=jnp.float32, minval=-0.05, maxval=0.05)
    return {"x": x, "table": table}

def reference(x, table):
    positions = jnp.arange(0, NUM_PATCHES, 1)
    encoded_positions = jnp.take(table, positions, axis=0)  # gather -> [num_patches, dim]
    return x + encoded_positions[None, :, :]

if __name__ == "__main__":
    import jax
    _d = setup_inputs()
    print(jax.jit(kernel)(*tuple(_d.values())))

</pallas_src>

<mosaic_0001>
#map = affine_map<(d0, d1) -> (0, 0)>
module attributes {stable_mosaic.version = 14 : i64} {
  func.func @k(%arg0: i32, %arg1: i32, %arg2: memref<65536x768xf32, #tpu.memory_space<hbm>>, %arg3: memref<1024x768xf32, #tpu.memory_space<hbm>>, %arg4: memref<65536x768xf32, #tpu.memory_space<hbm>>, %arg5: memref<32x768xf32, #tpu.memory_space<vmem>>, %arg6: memref<32x768xf32, #tpu.memory_space<vmem>>) attributes {dimension_semantics = [#tpu.dimension_semantics<core_parallel>, #tpu.dimension_semantics<subcore_parallel>], iteration_bounds = array<i64: 2, 16>, scalar_prefetch = 0 : i64, scratch_operands = 2 : i64, tpu.core_type = #tpu.core_type<sc_vector_subcore>, window_params = [{transform_indices = #map}, {transform_indices = #map}, {transform_indices = #map}]} {
    %mul3A = arith.constant 2 : i32
    %mul3A_0 = arith.muli %arg1, %mul3A : i32
    %add3A = arith.addi %mul3A_0, %arg0 : i32
    %mul3A_1 = arith.constant 32 : i32
    %mul3A_2 = arith.muli %add3A, %mul3A_1 : i32
    "tpu.region"() ({
      %run_scoped3A = tpu.sem_alloc : memref<!tpu.dma_semaphore, #tpu.memory_space<semaphore_mem>>
      %dma_start3A = arith.constant 0 : i32
      %dma_start3A_7 = tpu.memref_slice %arg3[%mul3A_2, %dma_start3A] : memref<1024x768xf32, #tpu.memory_space<hbm>> -> memref<32x768xf32, #tpu.memory_space<hbm>>
      %dma_start3A_8 = arith.constant 0 : i32
      %dma_start3A_9 = tpu.memref_slice %arg3[%mul3A_2, %dma_start3A_8] : memref<1024x768xf32, #tpu.memory_space<hbm>> -> memref<32x768xf32, #tpu.memory_space<hbm>>
      tpu.enqueue_dma source(%dma_start3A_9 : memref<32x768xf32, #tpu.memory_space<hbm>>) target(%arg5 : memref<32x768xf32, #tpu.memory_space<vmem>>) target_semaphore(%run_scoped3A : memref<!tpu.dma_semaphore, #tpu.memory_space<semaphore_mem>>)
      %dma_wait3A = arith.constant 0 : i32
      %dma_wait3A_10 = tpu.memref_slice %arg3[%mul3A_2, %dma_wait3A] : memref<1024x768xf32, #tpu.memory_space<hbm>> -> memref<32x768xf32, #tpu.memory_space<hbm>>
      %dma_wait3A_11 = arith.constant 0 : i32
      %dma_wait3A_12 = tpu.memref_slice %arg3[%mul3A_2, %dma_wait3A_11] : memref<1024x768xf32, #tpu.memory_space<hbm>> -> memref<32x768xf32, #tpu.memory_space<hbm>>
      tpu.wait_dma2 semaphore(%run_scoped3A : memref<!tpu.dma_semaphore, #tpu.memory_space<semaphore_mem>>) src(%dma_wait3A_12 : memref<32x768xf32, #tpu.memory_space<hbm>>) dst(%arg5 : memref<32x768xf32, #tpu.memory_space<vmem>>)
      tpu.yield
    }) : () -> ()
    %scan3A = arith.constant 0 : i32
    %scan3A_3 = arith.constant 64 : i32
    %scan3A_4 = arith.addi %scan3A, %scan3A_3 : i32
    %scan3A_5 = arith.constant 1 : i32
    scf.for %scan3A_7 = %scan3A to %scan3A_4 step %scan3A_5  : i32 {
      %mul3A_8 = arith.constant 1 : i32
      %mul3A_9 = arith.muli %scan3A_7, %mul3A_8 : i32
      %add3A_10 = arith.constant 0 : i32
      %add3A_11 = arith.addi %add3A_10, %mul3A_9 : i32
      %mul3A_12 = arith.constant 1024 : i32
      %mul3A_13 = arith.muli %add3A_11, %mul3A_12 : i32
      %add3A_14 = arith.addi %mul3A_13, %mul3A_2 : i32
      "tpu.region"() ({
        %run_scoped3A = tpu.sem_alloc : memref<!tpu.dma_semaphore, #tpu.memory_space<semaphore_mem>>
        %dma_start3A = arith.constant 0 : i32
        %dma_start3A_20 = tpu.memref_slice %arg2[%add3A_14, %dma_start3A] : memref<65536x768xf32, #tpu.memory_space<hbm>> -> memref<32x768xf32, #tpu.memory_space<hbm>>
        %dma_start3A_21 = arith.constant 0 : i32
        %dma_start3A_22 = tpu.memref_slice %arg2[%add3A_14, %dma_start3A_21] : memref<65536x768xf32, #tpu.memory_space<hbm>> -> memref<32x768xf32, #tpu.memory_space<hbm>>
        tpu.enqueue_dma source(%dma_start3A_22 : memref<32x768xf32, #tpu.memory_space<hbm>>) target(%arg6 : memref<32x768xf32, #tpu.memory_space<vmem>>) target_semaphore(%run_scoped3A : memref<!tpu.dma_semaphore, #tpu.memory_space<semaphore_mem>>)
        %dma_wait3A = arith.constant 0 : i32
        %dma_wait3A_23 = tpu.memref_slice %arg2[%add3A_14, %dma_wait3A] : memref<65536x768xf32, #tpu.memory_space<hbm>> -> memref<32x768xf32, #tpu.memory_space<hbm>>
        %dma_wait3A_24 = arith.constant 0 : i32
        %dma_wait3A_25 = tpu.memref_slice %arg2[%add3A_14, %dma_wait3A_24] : memref<65536x768xf32, #tpu.memory_space<hbm>> -> memref<32x768xf32, #tpu.memory_space<hbm>>
        tpu.wait_dma2 semaphore(%run_scoped3A : memref<!tpu.dma_semaphore, #tpu.memory_space<semaphore_mem>>) src(%dma_wait3A_25 : memref<32x768xf32, #tpu.memory_space<hbm>>) dst(%arg6 : memref<32x768xf32, #tpu.memory_space<vmem>>)
        tpu.yield
      }) : () -> ()
      %scan3A_15 = arith.constant 0 : i32
      %scan3A_16 = arith.constant 32 : i32
      %scan3A_17 = arith.addi %scan3A_15, %scan3A_16 : i32
      %scan3A_18 = arith.constant 1 : i32
      scf.for %scan3A_20 = %scan3A_15 to %scan3A_17 step %scan3A_18  : i32 {
        %mul3A_21 = arith.constant 1 : i32
        %mul3A_22 = arith.muli %scan3A_20, %mul3A_21 : i32
        %add3A_23 = arith.constant 0 : i32
        %add3A_24 = arith.addi %add3A_23, %mul3A_22 : i32
        %get3A = arith.index_cast %add3A_24 : i32 to index
        %get3A_25 = arith.constant 0 : index
        %get3A_26 = tpu.vector_load %arg6[%get3A, %get3A_25] {strides = array<i32>} : memref<32x768xf32, #tpu.memory_space<vmem>>, vector<1x16xf32>,
        %get3A_27 = vector.shape_cast %get3A_26 : vector<1x16xf32> to vector<16xf32>
        %get3A_28 = arith.index_cast %add3A_24 : i32 to index
        %get3A_29 = arith.constant 0 : index
        %get3A_30 = tpu.vector_load %arg5[%get3A_28, %get3A_29] {strides = array<i32>} : memref<32x768xf32, #tpu.memory_space<vmem>>, vector<1x16xf32>,
        %get3A_31 = vector.shape_cast %get3A_30 : vector<1x16xf32> to vector<16xf32>
        %add3A_32 = arith.addf %get3A_27, %get3A_31 : vector<16xf32>
        %swap3A = arith.index_cast %add3A_24 : i32 to index
        %swap3A_33 = arith.constant 0 : index
        %swap3A_34 = tpu.vector_load %arg6[%swap3A, %swap3A_33] {strides = array<i32>} : memref<32x768xf32, #tpu.memory_space<vmem>>, vector<1x16xf32>,
        %swap3A_35 = vector.shape_cast %swap3A_34 : vector<1x16xf32> to vector<16xf32>
        %swap3A_36 = vector.shape_cast %add3A_32 : vector<16xf32> to vector<1x16xf32>
        tpu.vector_store %arg6[%swap3A, %swap3A_33], %swap3A_36 {strides = array<i32>} : memref<32x768xf32, #tpu.memory_space<vmem>>, vector<1x16xf32>,
        %get3A_37 = arith.index_cast %add3A_24 : i32 to index
        %get3A_38 = arith.constant 16 : index
        %get3A_39 = tpu.vector_load %arg6[%get3A_37, %get3A_38] {strides = array<i32>} : memref<32x768xf32, #tpu.memory_space<vmem>>, vector<1x16xf32>,
        %get3A_40 = vector.shape_cast %get3A_39 : vector<1x16xf32> to vector<16xf32>
        %get3A_41 = arith.index_cast %add3A_24 : i32 to index
        %get3A_42 = arith.constant 16 : index
        %get3A_43 = tpu.vector_load %arg5[%get3A_41, %get3A_42] {strides = array<i32>} : memref<32x768xf32, #tpu.memory_space<vmem>>, vector<1x16xf32>,
        %get3A_44 = vector.shape_cast %get3A_43 : vector<1x16xf32> to vector<16xf32>
        %add3A_45 = arith.addf %get3A_40, %get3A_44 : vector<16xf32>
        %swap3A_46 = arith.index_cast %add3A_24 : i32 to index
        %swap3A_47 = arith.constant 16 : index
        %swap3A_48 = tpu.vector_load %arg6[%swap3A_46, %swap3A_47] {strides = array<i32>} : memref<32x768xf32, #tpu.memory_space<vmem>>, vector<1x16xf32>,
        %swap3A_49 = vector.shape_cast %swap3A_48 : vector<1x16xf32> to vector<16xf32>
        %swap3A_50 = vector.shape_cast %add3A_45 : vector<16xf32> to vector<1x16xf32>
        tpu.vector_store %arg6[%swap3A_46, %swap3A_47], %swap3A_50 {strides = array<i32>} : memref<32x768xf32, #tpu.memory_space<vmem>>, vector<1x16xf32>,
        %get3A_51 = arith.index_cast %add3A_24 : i32 to index
        %get3A_52 = arith.constant 32 : index
        %get3A_53 = tpu.vector_load %arg6[%get3A_51, %get3A_52] {strides = array<i32>} : memref<32x768xf32, #tpu.memory_space<vmem>>, vector<1x16xf32>,
        %get3A_54 = vector.shape_cast %get3A_53 : vector<1x16xf32> to vector<16xf32>
        %get3A_55 = arith.index_cast %add3A_24 : i32 to index
        %get3A_56 = arith.constant 32 : index
        %get3A_57 = tpu.vector_load %arg5[%get3A_55, %get3A_56] {strides = array<i32>} : memref<32x768xf32, #tpu.memory_space<vmem>>, vector<1x16xf32>,
        %get3A_58 = vector.shape_cast %get3A_57 : vector<1x16xf32> to vector<16xf32>
        %add3A_59 = arith.addf %get3A_54, %get3A_58 : vector<16xf32>
        %swap3A_60 = arith.index_cast %add3A_24 : i32 to index
        %swap3A_61 = arith.constant 32 : index
        %swap3A_62 = tpu.vector_load %arg6[%swap3A_60, %swap3A_61] {strides = array<i32>} : memref<32x768xf32, #tpu.memory_space<vmem>>, vector<1x16xf32>,
        %swap3A_63 = vector.shape_cast %swap3A_62 : vector<1x16xf32> to vector<16xf32>
        %swap3A_64 = vector.shape_cast %add3A_59 : vector<16xf32> to vector<1x16xf32>
        tpu.vector_store %arg6[%swap3A_60, %swap3A_61], %swap3A_64 {strides = array<i32>} : memref<32x768xf32, #tpu.memory_space<vmem>>, vector<1x16xf32>,
        %get3A_65 = arith.index_cast %add3A_24 : i32 to index
        %get3A_66 = arith.constant 48 : index
        %get3A_67 = tpu.vector_load %arg6[%get3A_65, %get3A_66] {strides = array<i32>} : memref<32x768xf32, #tpu.memory_space<vmem>>, vector<1x16xf32>,
        %get3A_68 = vector.shape_cast %get3A_67 : vector<1x16xf32> to vector<16xf32>
        %get3A_69 = arith.index_cast %add3A_24 : i32 to index
        %get3A_70 = arith.constant 48 : index
        %get3A_71 = tpu.vector_load %arg5[%get3A_69, %get3A_70] {strides = array<i32>} : memref<32x768xf32, #tpu.memory_space<vmem>>, vector<1x16xf32>,
        %get3A_72 = vector.shape_cast %get3A_71 : vector<1x16xf32> to vector<16xf32>
        %add3A_73 = arith.addf %get3A_68, %get3A_72 : vector<16xf32>
        %swap3A_74 = arith.index_cast %add3A_24 : i32 to index
        %swap3A_75 = arith.constant 48 : index
        %swap3A_76 = tpu.vector_load %arg6[%swap3A_74, %swap3A_75] {strides = array<i32>} : memref<32x768xf32, #tpu.memory_space<vmem>>, vector<1x16xf32>,
        %swap3A_77 = vector.shape_cast %swap3A_76 : vector<1x16xf32> to vector<16xf32>
        %swap3A_78 = vector.shape_cast %add3A_73 : vector<16xf32> to vector<1x16xf32>
        tpu.vector_store %arg6[%swap3A_74, %swap3A_75], %swap3A_78 {strides = array<i32>} : memref<32x768xf32, #tpu.memory_space<vmem>>, vector<1x16xf32>,
        %get3A_79 = arith.index_cast %add3A_24 : i32 to index
        %get3A_80 = arith.constant 64 : index
        %get3A_81 = tpu.vector_load %arg6[%get3A_79, %get3A_80] {strides = array<i32>} : memref<32x768xf32, #tpu.memory_space<vmem>>, vector<1x16xf32>,
        %get3A_82 = vector.shape_cast %get3A_81 : vector<1x16xf32> to vector<16xf32>
        %get3A_83 = arith.index_cast %add3A_24 : i32 to index
        %get3A_84 = arith.constant 64 : index
        %get3A_85 = tpu.vector_load %arg5[%get3A_83, %get3A_84] {strides = array<i32>} : memref<32x768xf32, #tpu.memory_space<vmem>>, vector<1x16xf32>,
        %get3A_86 = vector.shape_cast %get3A_85 : vector<1x16xf32> to vector<16xf32>
        %add3A_87 = arith.addf %get3A_82, %get3A_86 : vector<16xf32>
        %swap3A_88 = arith.index_cast %add3A_24 : i32 to index
        %swap3A_89 = arith.constant 64 : index
        %swap3A_90 = tpu.vector_load %arg6[%swap3A_88, %swap3A_89] {strides = array<i32>} : memref<32x768xf32, #tpu.memory_space<vmem>>, vector<1x16xf32>,
        %swap3A_91 = vector.shape_cast %swap3A_90 : vector<1x16xf32> to vector<16xf32>
        %swap3A_92 = vector.shape_cast %add3A_87 : vector<16xf32> to vector<1x16xf32>
        tpu.vector_store %arg6[%swap3A_88, %swap3A_89], %swap3A_92 {strides = array<i32>} : memref<32x768xf32, #tpu.memory_space<vmem>>, vector<1x16xf32>,
        %get3A_93 = arith.index_cast %add3A_24 : i32 to index
        %get3A_94 = arith.constant 80 : index
        %get3A_95 = tpu.vector_load %arg6[%get3A_93, %get3A_94] {strides = array<i32>} : memref<32x768xf32, #tpu.memory_space<vmem>>, vector<1x16xf32>,
        %get3A_96 = vector.shape_cast %get3A_95 : vector<1x16xf32> to vector<16xf32>
        %get3A_97 = arith.index_cast %add3A_24 : i32 to index
        %get3A_98 = arith.constant 80 : index
        %get3A_99 = tpu.vector_load %arg5[%get3A_97, %get3A_98] {strides = array<i32>} : memref<32x768xf32, #tpu.memory_space<vmem>>, vector<1x16xf32>,
        %get3A_100 = vector.shape_cast %get3A_99 : vector<1x16xf32> to vector<16xf32>
        %add3A_101 = arith.addf %get3A_96, %get3A_100 : vector<16xf32>
        %swap3A_102 = arith.index_cast %add3A_24 : i32 to index
        %swap3A_103 = arith.constant 80 : index
        %swap3A_104 = tpu.vector_load %arg6[%swap3A_102, %swap3A_103] {strides = array<i32>} : memref<32x768xf32, #tpu.memory_space<vmem>>, vector<1x16xf32>,
        %swap3A_105 = vector.shape_cast %swap3A_104 : vector<1x16xf32> to vector<16xf32>
        %swap3A_106 = vector.shape_cast %add3A_101 : vector<16xf32> to vector<1x16xf32>
        tpu.vector_store %arg6[%swap3A_102, %swap3A_103], %swap3A_106 {strides = array<i32>} : memref<32x768xf32, #tpu.memory_space<vmem>>, vector<1x16xf32>,
        %get3A_107 = arith.index_cast %add3A_24 : i32 to index
        %get3A_108 = arith.constant 96 : index
        %get3A_109 = tpu.vector_load %arg6[%get3A_107, %get3A_108] {strides = array<i32>} : memref<32x768xf32, #tpu.memory_space<vmem>>, vector<1x16xf32>,
        %get3A_110 = vector.shape_cast %get3A_109 : vector<1x16xf32> to vector<16xf32>
        %get3A_111 = arith.index_cast %add3A_24 : i32 to index
        %get3A_112 = arith.constant 96 : index
        %get3A_113 = tpu.vector_load %arg5[%get3A_111, %get3A_112] {strides = array<i32>} : memref<32x768xf32, #tpu.memory_space<vmem>>, vector<1x16xf32>,
        %get3A_114 = vector.shape_cast %get3A_113 : vector<1x16xf32> to vector<16xf32>
        %add3A_115 = arith.addf %get3A_110, %get3A_114 : vector<16xf32>
        %swap3A_116 = arith.index_cast %add3A_24 : i32 to index
        %swap3A_117 = arith.constant 96 : index
        %swap3A_118 = tpu.vector_load %arg6[%swap3A_116, %swap3A_117] {strides = array<i32>} : memref<32x768xf32, #tpu.memory_space<vmem>>, vector<1x16xf32>,
        %swap3A_119 = vector.shape_cast %swap3A_118 : vector<1x16xf32> to vector<16xf32>
        %swap3A_120 = vector.shape_cast %add3A_115 : vector<16xf32> to vector<1x16xf32>
        tpu.vector_store %arg6[%swap3A_116, %swap3A_117], %swap3A_120 {strides = array<i32>} : memref<32x768xf32, #tpu.memory_space<vmem>>, vector<1x16xf32>,
        %get3A_121 = arith.index_cast %add3A_24 : i32 to index
        %get3A_122 = arith.constant 112 : index
        %get3A_123 = tpu.vector_load %arg6[%get3A_121, %get3A_122] {strides = array<i32>} : memref<32x768xf32, #tpu.memory_space<vmem>>, vector<1x16xf32>,
        %get3A_124 = vector.shape_cast %get3A_123 : vector<1x16xf32> to vector<16xf32>
        %get3A_125 = arith.index_cast %add3A_24 : i32 to index
        %get3A_126 = arith.constant 112 : index
        %get3A_127 = tpu.vector_load %arg5[%get3A_125, %get3A_126] {strides = array<i32>} : memref<32x768xf32, #tpu.memory_space<vmem>>, vector<1x16xf32>,
        %get3A_128 = vector.shape_cast %get3A_127 : vector<1x16xf32> to vector<16xf32>
        %add3A_129 = arith.addf %get3A_124, %get3A_128 : vector<16xf32>
        %swap3A_130 = arith.index_cast %add3A_24 : i32 to index
        %swap3A_131 = arith.constant 112 : index
        %swap3A_132 = tpu.vector_load %arg6[%swap3A_130, %swap3A_131] {strides = array<i32>} : memref<32x768xf32, #tpu.memory_space<vmem>>, vector<1x16xf32>,
        %swap3A_133 = vector.shape_cast %swap3A_132 : vector<1x16xf32> to vector<16xf32>
        %swap3A_134 = vector.shape_cast %add3A_129 : vector<16xf32> to vector<1x16xf32>
        tpu.vector_store %arg6[%swap3A_130, %swap3A_131], %swap3A_134 {strides = array<i32>} : memref<32x768xf32, #tpu.memory_space<vmem>>, vector<1x16xf32>,
        %get3A_135 = arith.index_cast %add3A_24 : i32 to index
        %get3A_136 = arith.constant 128 : index
        %get3A_137 = tpu.vector_load %arg6[%get3A_135, %get3A_136] {strides = array<i32>} : memref<32x768xf32, #tpu.memory_space<vmem>>, vector<1x16xf32>,
        %get3A_138 = vector.shape_cast %get3A_137 : vector<1x16xf32> to vector<16xf32>
        %get3A_139 = arith.index_cast %add3A_24 : i32 to index
        %get3A_140 = arith.constant 128 : index
        %get3A_141 = tpu.vector_load %arg5[%get3A_139, %get3A_140] {strides = array<i32>} : memref<32x768xf32, #tpu.memory_space<vmem>>, vector<1x16xf32>,
        %get3A_142 = vector.shape_cast %get3A_141 : vector<1x16xf32> to vector<16xf32>
        %add3A_143 = arith.addf %get3A_138, %get3A_142 : vector<16xf32>
        %swap3A_144 = arith.index_cast %add3A_24 : i32 to index
        %swap3A_145 = arith.constant 128 : index
        %swap3A_146 = tpu.vector_load %arg6[%swap3A_144, %swap3A_145] {strides = array<i32>} : memref<32x768xf32, #tpu.memory_space<vmem>>, vector<1x16xf32>,
        %swap3A_147 = vector.shape_cast %swap3A_146 : vector<1x16xf32> to vector<16xf32>
        %swap3A_148 = vector.shape_cast %add3A_143 : vector<16xf32> to vector<1x16xf32>
        tpu.vector_store %arg6[%swap3A_144, %swap3A_145], %swap3A_148 {strides = array<i32>} : memref<32x768xf32, #tpu.memory_space<vmem>>, vector<1x16xf32>,
        %get3A_149 = arith.index_cast %add3A_24 : i32 to index
        %get3A_150 = arith.constant 144 : index
        %get3A_151 = tpu.vector_load %arg6[%get3A_149, %get3A_150] {strides = array<i32>} : memref<32x768xf32, #tpu.memory_space<vmem>>, vector<1x16xf32>,
        %get3A_152 = vector.shape_cast %get3A_151 : vector<1x16xf32> to vector<16xf32>
        %get3A_153 = arith.index_cast %add3A_24 : i32 to index
        %get3A_154 = arith.constant 144 : index
        %get3A_155 = tpu.vector_load %arg5[%get3A_153, %get3A_154] {strides = array<i32>} : memref<32x768xf32, #tpu.memory_space<vmem>>, vector<1x16xf32>,
        %get3A_156 = vector.shape_cast %get3A_155 : vector<1x16xf32> to vector<16xf32>
        %add3A_157 = arith.addf %get3A_152, %get3A_156 : vector<16xf32>
        %swap3A_158 = arith.index_cast %add3A_24 : i32 to index
        %swap3A_159 = arith.constant 144 : index
        %swap3A_160 = tpu.vector_load %arg6[%swap3A_158, %swap3A_159] {strides = array<i32>} : memref<32x768xf32, #tpu.memory_space<vmem>>, vector<1x16xf32>,
        %swap3A_161 = vector.shape_cast %swap3A_160 : vector<1x16xf32> to vector<16xf32>
        %swap3A_162 = vector.shape_cast %add3A_157 : vector<16xf32> to vector<1x16xf32>
        tpu.vector_store %arg6[%swap3A_158, %swap3A_159], %swap3A_162 {strides = array<i32>} : memref<32x768xf32, #tpu.memory_space<vmem>>, vector<1x16xf32>,
        %get3A_163 = arith.index_cast %add3A_24 : i32 to index
        %get3A_164 = arith.constant 160 : index
        %get3A_165 = tpu.vector_load %arg6[%get3A_163, %get3A_164] {strides = array<i32>} : memref<32x768xf32, #tpu.memory_space<vmem>>, vector<1x16xf32>,
        %get3A_166 = vector.shape_cast %get3A_165 : vector<1x16xf32> to vector<16xf32>
        %get3A_167 = arith.index_cast %add3A_24 : i32 to index
        %get3A_168 = arith.constant 160 : index
        %get3A_169 = tpu.vector_load %arg5[%get3A_167, %get3A_168] {strides = array<i32>} : memref<32x768xf32, #tpu.memory_space<vmem>>, vector<1x16xf32>,
        %get3A_170 = vector.shape_cast %get3A_169 : vector<1x16xf32> to vector<16xf32>
        %add3A_171 = arith.addf %get3A_166, %get3A_170 : vector<16xf32>
        %swap3A_172 = arith.index_cast %add3A_24 : i32 to index
        %swap3A_173 = arith.constant 160 : index
        %swap3A_174 = tpu.vector_load %arg6[%swap3A_172, %swap3A_173] {strides = array<i32>} : memref<32x768xf32, #tpu.memory_space<vmem>>, vector<1x16xf32>,
        %swap3A_175 = vector.shape_cast %swap3A_174 : vector<1x16xf32> to vector<16xf32>
        %swap3A_176 = vector.shape_cast %add3A_171 : vector<16xf32> to vector<1x16xf32>
        tpu.vector_store %arg6[%swap3A_172, %swap3A_173], %swap3A_176 {strides = array<i32>} : memref<32x768xf32, #tpu.memory_space<vmem>>, vector<1x16xf32>,
        %get3A_177 = arith.index_cast %add3A_24 : i32 to index
        %get3A_178 = arith.constant 176 : index
        %get3A_179 = tpu.vector_load %arg6[%get3A_177, %get3A_178] {strides = array<i32>} : memref<32x768xf32, #tpu.memory_space<vmem>>, vector<1x16xf32>,
        %get3A_180 = vector.shape_cast %get3A_179 : vector<1x16xf32> to vector<16xf32>
        %get3A_181 = arith.index_cast %add3A_24 : i32 to index
        %get3A_182 = arith.constant 176 : index
        %get3A_183 = tpu.vector_load %arg5[%get3A_181, %get3A_182] {strides = array<i32>} : memref<32x768xf32, #tpu.memory_space<vmem>>, vector<1x16xf32>,
        %get3A_184 = vector.shape_cast %get3A_183 : vector<1x16xf32> to vector<16xf32>
        %add3A_185 = arith.addf %get3A_180, %get3A_184 : vector<16xf32>
        %swap3A_186 = arith.index_cast %add3A_24 : i32 to index
        %swap3A_187 = arith.constant 176 : index
        %swap3A_188 = tpu.vector_load %arg6[%swap3A_186, %swap3A_187] {strides = array<i32>} : memref<32x768xf32, #tpu.memory_space<vmem>>, vector<1x16xf32>,
        %swap3A_189 = vector.shape_cast %swap3A_188 : vector<1x16xf32> to vector<16xf32>
        %swap3A_190 = vector.shape_cast %add3A_185 : vector<16xf32> to vector<1x16xf32>
        tpu.vector_store %arg6[%swap3A_186, %swap3A_187], %swap3A_190 {strides = array<i32>} : memref<32x768xf32, #tpu.memory_space<vmem>>, vector<1x16xf32>,
        %get3A_191 = arith.index_cast %add3A_24 : i32 to index
        %get3A_192 = arith.constant 192 : index
        %get3A_193 = tpu.vector_load %arg6[%get3A_191, %get3A_192] {strides = array<i32>} : memref<32x768xf32, #tpu.memory_space<vmem>>, vector<1x16xf32>,
        %get3A_194 = vector.shape_cast %get3A_193 : vector<1x16xf32> to vector<16xf32>
        %get3A_195 = arith.index_cast %add3A_24 : i32 to index
        %get3A_196 = arith.constant 192 : index
        %get3A_197 = tpu.vector_load %arg5[%get3A_195, %get3A_196] {strides = array<i32>} : memref<32x768xf32, #tpu.memory_space<vmem>>, vector<1x16xf32>,
        %get3A_198 = vector.shape_cast %get3A_197 : vector<1x16xf32> to vector<16xf32>
        %add3A_199 = arith.addf %get3A_194, %get3A_198 : vector<16xf32>
        %swap3A_200 = arith.index_cast %add3A_24 : i32 to index
        %swap3A_201 = arith.constant 192 : index
        %swap3A_202 = tpu.vector_load %arg6[%swap3A_200, %swap3A_201] {strides = array<i32>} : memref<32x768xf32, #tpu.memory_space<vmem>>, vector<1x16xf32>,
        %swap3A_203 = vector.shape_cast %swap3A_202 : vector<1x16xf32> to vector<16xf32>
        %swap3A_204 = vector.shape_cast %add3A_199 : vector<16xf32> to vector<1x16xf32>
        tpu.vector_store %arg6[%swap3A_200, %swap3A_201], %swap3A_204 {strides = array<i32>} : memref<32x768xf32, #tpu.memory_space<vmem>>, vector<1x16xf32>,
        %get3A_205 = arith.index_cast %add3A_24 : i32 to index
        %get3A_206 = arith.constant 208 : index
        %get3A_207 = tpu.vector_load %arg6[%get3A_205, %get3A_206] {strides = array<i32>} : memref<32x768xf32, #tpu.memory_space<vmem>>, vector<1x16xf32>,
        %get3A_208 = vector.shape_cast %get3A_207 : vector<1x16xf32> to vector<16xf32>
        %get3A_209 = arith.index_cast %add3A_24 : i32 to index
        %get3A_210 = arith.constant 208 : index
        %get3A_211 = tpu.vector_load %arg5[%get3A_209, %get3A_210] {strides = array<i32>} : memref<32x768xf32, #tpu.memory_space<vmem>>, vector<1x16xf32>,
        %get3A_212 = vector.shape_cast %get3A_211 : vector<1x16xf32> to vector<16xf32>
        %add3A_213 = arith.addf %get3A_208, %get3A_212 : vector<16xf32>
        %swap3A_214 = arith.index_cast %add3A_24 : i32 to index
        %swap3A_215 = arith.constant 208 : index
        %swap3A_216 = tpu.vector_load %arg6[%swap3A_214, %swap3A_215] {strides = array<i32>} : memref<32x768xf32, #tpu.memory_space<vmem>>, vector<1x16xf32>,
        %swap3A_217 = vector.shape_cast %swap3A_216 : vector<1x16xf32> to vector<16xf32>
        %swap3A_218 = vector.shape_cast %add3A_213 : vector<16xf32> to vector<1x16xf32>
        tpu.vector_store %arg6[%swap3A_214, %swap3A_215], %swap3A_218 {strides = array<i32>} : memref<32x768xf32, #tpu.memory_space<vmem>>, vector<1x16xf32>,
        %get3A_219 = arith.index_cast %add3A_24 : i32 to index
        %get3A_220 = arith.constant 224 : index
        %get3A_221 = tpu.vector_load %arg6[%get3A_219, %get3A_220] {strides = array<i32>} : memref<32x768xf32, #tpu.memory_space<vmem>>, vector<1x16xf32>,
        %get3A_222 = vector.shape_cast %get3A_221 : vector<1x16xf32> to vector<16xf32>
        %get3A_223 = arith.index_cast %add3A_24 : i32 to index
        %get3A_224 = arith.constant 224 : index
        %get3A_225 = tpu.vector_load %arg5[%get3A_223, %get3A_224] {strides = array<i32>} : memref<32x768xf32, #tpu.memory_space<vmem>>, vector<1x16xf32>,
        %get3A_226 = vector.shape_cast %get3A_225 : vector<1x16xf32> to vector<16xf32>
        %add3A_227 = arith.addf %get3A_222, %get3A_226 : vector<16xf32>
        %swap3A_228 = arith.index_cast %add3A_24 : i32 to index
        %swap3A_229 = arith.constant 224 : index
        %swap3A_230 = tpu.vector_load %arg6[%swap3A_228, %swap3A_229] {strides = array<i32>} : memref<32x768xf32, #tpu.memory_space<vmem>>, vector<1x16xf32>,
        %swap3A_231 = vector.shape_cast %swap3A_230 : vector<1x16xf32> to vector<16xf32>
        %swap3A_232 = vector.shape_cast %add3A_227 : vector<16xf32> to vector<1x16xf32>
        tpu.vector_store %arg6[%swap3A_228, %swap3A_229], %swap3A_232 {strides = array<i32>} : memref<32x768xf32, #tpu.memory_space<vmem>>, vector<1x16xf32>,
        %get3A_233 = arith.index_cast %add3A_24 : i32 to index
        %get3A_234 = arith.constant 240 : index
        %get3A_235 = tpu.vector_load %arg6[%get3A_233, %get3A_234] {strides = array<i32>} : memref<32x768xf32, #tpu.memory_space<vmem>>, vector<1x16xf32>,
        %get3A_236 = vector.shape_cast %get3A_235 : vector<1x16xf32> to vector<16xf32>
        %get3A_237 = arith.index_cast %add3A_24 : i32 to index
        %get3A_238 = arith.constant 240 : index
        %get3A_239 = tpu.vector_load %arg5[%get3A_237, %get3A_238] {strides = array<i32>} : memref<32x768xf32, #tpu.memory_space<vmem>>, vector<1x16xf32>,
        %get3A_240 = vector.shape_cast %get3A_239 : vector<1x16xf32> to vector<16xf32>
        %add3A_241 = arith.addf %get3A_236, %get3A_240 : vector<16xf32>
        %swap3A_242 = arith.index_cast %add3A_24 : i32 to index
        %swap3A_243 = arith.constant 240 : index
        %swap3A_244 = tpu.vector_load %arg6[%swap3A_242, %swap3A_243] {strides = array<i32>} : memref<32x768xf32, #tpu.memory_space<vmem>>, vector<1x16xf32>,
        %swap3A_245 = vector.shape_cast %swap3A_244 : vector<1x16xf32> to vector<16xf32>
        %swap3A_246 = vector.shape_cast %add3A_241 : vector<16xf32> to vector<1x16xf32>
        tpu.vector_store %arg6[%swap3A_242, %swap3A_243], %swap3A_246 {strides = array<i32>} : memref<32x768xf32, #tpu.memory_space<vmem>>, vector<1x16xf32>,
        %get3A_247 = arith.index_cast %add3A_24 : i32 to index
        %get3A_248 = arith.constant 256 : index
        %get3A_249 = tpu.vector_load %arg6[%get3A_247, %get3A_248] {strides = array<i32>} : memref<32x768xf32, #tpu.memory_space<vmem>>, vector<1x16xf32>,
        %get3A_250 = vector.shape_cast %get3A_249 : vector<1x16xf32> to vector<16xf32>
        %get3A_251 = arith.index_cast %add3A_24 : i32 to index
        %get3A_252 = arith.constant 256 : index
        %get3A_253 = tpu.vector_load %arg5[%get3A_251, %get3A_252] {strides = array<i32>} : memref<32x768xf32, #tpu.memory_space<vmem>>, vector<1x16xf32>,
        %get3A_254 = vector.shape_cast %get3A_253 : vector<1x16xf32> to vector<16xf32>
        %add3A_255 = arith.addf %get3A_250, %get3A_254 : vector<16xf32>
        %swap3A_256 = arith.index_cast %add3A_24 : i32 to index
        %swap3A_257 = arith.constant 256 : index
        %swap3A_258 = tpu.vector_load %arg6[%swap3A_256, %swap3A_257] {strides = array<i32>} : memref<32x768xf32, #tpu.memory_space<vmem>>, vector<1x16xf32>,
        %swap3A_259 = vector.shape_cast %swap3A_258 : vector<1x16xf32> to vector<16xf32>
        %swap3A_260 = vector.shape_cast %add3A_255 : vector<16xf32> to vector<1x16xf32>
        tpu.vector_store %arg6[%swap3A_256, %swap3A_257], %swap3A_260 {strides = array<i32>} : memref<32x768xf32, #tpu.memory_space<vmem>>, vector<1x16xf32>,
        %get3A_261 = arith.index_cast %add3A_24 : i32 to index
        %get3A_262 = arith.constant 272 : index
        %get3A_263 = tpu.vector_load %arg6[%get3A_261, %get3A_262] {strides = array<i32>} : memref<32x768xf32, #tpu.memory_space<vmem>>, vector<1x16xf32>,
        %get3A_264 = vector.shape_cast %get3A_263 : vector<1x16xf32> to vector<16xf32>
        %get3A_265 = arith.index_cast %add3A_24 : i32 to index
        %get3A_266 = arith.constant 272 : index
        %get3A_267 = tpu.vector_load %arg5[%get3A_265, %get3A_266] {strides = array<i32>} : memref<32x768xf32, #tpu.memory_space<vmem>>, vector<1x16xf32>,
        %get3A_268 = vector.shape_cast %get3A_267 : vector<1x16xf32> to vector<16xf32>
        %add3A_269 = arith.addf %get3A_264, %get3A_268 : vector<16xf32>
        %swap3A_270 = arith.index_cast %add3A_24 : i32 to index
        %swap3A_271 = arith.constant 272 : index
        %swap3A_272 = tpu.vector_load %arg6[%swap3A_270, %swap3A_271] {strides = array<i32>} : memref<32x768xf32, #tpu.memory_space<vmem>>, vector<1x16xf32>,
        %swap3A_273 = vector.shape_cast %swap3A_272 : vector<1x16xf32> to vector<16xf32>
        %swap3A_274 = vector.shape_cast %add3A_269 : vector<16xf32> to vector<1x16xf32>
        tpu.vector_store %arg6[%swap3A_270, %swap3A_271], %swap3A_274 {strides = array<i32>} : memref<32x768xf32, #tpu.memory_space<vmem>>, vector<1x16xf32>,
        %get3A_275 = arith.index_cast %add3A_24 : i32 to index
        %get3A_276 = arith.constant 288 : index
        %get3A_277 = tpu.vector_load %arg6[%get3A_275, %get3A_276] {strides = array<i32>} : memref<32x768xf32, #tpu.memory_space<vmem>>, vector<1x16xf32>,
        %get3A_278 = vector.shape_cast %get3A_277 : vector<1x16xf32> to vector<16xf32>
        %get3A_279 = arith.index_cast %add3A_24 : i32 to index
        %get3A_280 = arith.constant 288 : index
        %get3A_281 = tpu.vector_load %arg5[%get3A_279, %get3A_280] {strides = array<i32>} : memref<32x768xf32, #tpu.memory_space<vmem>>, vector<1x16xf32>,
        %get3A_282 = vector.shape_cast %get3A_281 : vector<1x16xf32> to vector<16xf32>
        %add3A_283 = arith.addf %get3A_278, %get3A_282 : vector<16xf32>
        %swap3A_284 = arith.index_cast %add3A_24 : i32 to index
        %swap3A_285 = arith.constant 288 : index
        %swap3A_286 = tpu.vector_load %arg6[%swap3A_284, %swap3A_285] {strides = array<i32>} : memref<32x768xf32, #tpu.memory_space<vmem>>, vector<1x16xf32>,
        %swap3A_287 = vector.shape_cast %swap3A_286 : vector<1x16xf32> to vector<16xf32>
        %swap3A_288 = vector.shape_cast %add3A_283 : vector<16xf32> to vector<1x16xf32>
        tpu.vector_store %arg6[%swap3A_284, %swap3A_285], %swap3A_288 {strides = array<i32>} : memref<32x768xf32, #tpu.memory_space<vmem>>, vector<1x16xf32>,
        %get3A_289 = arith.index_cast %add3A_24 : i32 to index
        %get3A_290 = arith.constant 304 : index
        %get3A_291 = tpu.vector_load %arg6[%get3A_289, %get3A_290] {strides = array<i32>} : memref<32x768xf32, #tpu.memory_space<vmem>>, vector<1x16xf32>,
        %get3A_292 = vector.shape_cast %get3A_291 : vector<1x16xf32> to vector<16xf32>
        %get3A_293 = arith.index_cast %add3A_24 : i32 to index
        %get3A_294 = arith.constant 304 : index
        %get3A_295 = tpu.vector_load %arg5[%get3A_293, %get3A_294] {strides = array<i32>} : memref<32x768xf32, #tpu.memory_space<vmem>>, vector<1x16xf32>,
        %get3A_296 = vector.shape_cast %get3A_295 : vector<1x16xf32> to vector<16xf32>
        %add3A_297 = arith.addf %get3A_292, %get3A_296 : vector<16xf32>
        %swap3A_298 = arith.index_cast %add3A_24 : i32 to index
        %swap3A_299 = arith.constant 304 : index
        %swap3A_300 = tpu.vector_load %arg6[%swap3A_298, %swap3A_299] {strides = array<i32>} : memref<32x768xf32, #tpu.memory_space<vmem>>, vector<1x16xf32>,
        %swap3A_301 = vector.shape_cast %swap3A_300 : vector<1x16xf32> to vector<16xf32>
        %swap3A_302 = vector.shape_cast %add3A_297 : vector<16xf32> to vector<1x16xf32>
        tpu.vector_store %arg6[%swap3A_298, %swap3A_299], %swap3A_302 {strides = array<i32>} : memref<32x768xf32, #tpu.memory_space<vmem>>, vector<1x16xf32>,
        %get3A_303 = arith.index_cast %add3A_24 : i32 to index
        %get3A_304 = arith.constant 320 : index
        %get3A_305 = tpu.vector_load %arg6[%get3A_303, %get3A_304] {strides = array<i32>} : memref<32x768xf32, #tpu.memory_space<vmem>>, vector<1x16xf32>,
        %get3A_306 = vector.shape_cast %get3A_305 : vector<1x16xf32> to vector<16xf32>
        %get3A_307 = arith.index_cast %add3A_24 : i32 to index
        %get3A_308 = arith.constant 320 : index
        %get3A_309 = tpu.vector_load %arg5[%get3A_307, %get3A_308] {strides = array<i32>} : memref<32x768xf32, #tpu.memory_space<vmem>>, vector<1x16xf32>,
        %get3A_310 = vector.shape_cast %get3A_309 : vector<1x16xf32> to vector<16xf32>
        %add3A_311 = arith.addf %get3A_306, %get3A_310 : vector<16xf32>
        %swap3A_312 = arith.index_cast %add3A_24 : i32 to index
        %swap3A_313 = arith.constant 320 : index
        %swap3A_314 = tpu.vector_load %arg6[%swap3A_312, %swap3A_313] {strides = array<i32>} : memref<32x768xf32, #tpu.memory_space<vmem>>, vector<1x16xf32>,
        %swap3A_315 = vector.shape_cast %swap3A_314 : vector<1x16xf32> to vector<16xf32>
        %swap3A_316 = vector.shape_cast %add3A_311 : vector<16xf32> to vector<1x16xf32>
        tpu.vector_store %arg6[%swap3A_312, %swap3A_313], %swap3A_316 {strides = array<i32>} : memref<32x768xf32, #tpu.memory_space<vmem>>, vector<1x16xf32>,
        %get3A_317 = arith.index_cast %add3A_24 : i32 to index
        %get3A_318 = arith.constant 336 : index
        %get3A_319 = tpu.vector_load %arg6[%get3A_317, %get3A_318] {strides = array<i32>} : memref<32x768xf32, #tpu.memory_space<vmem>>, vector<1x16xf32>,
        %get3A_320 = vector.shape_cast %get3A_319 : vector<1x16xf32> to vector<16xf32>
        %get3A_321 = arith.index_cast %add3A_24 : i32 to index
        %get3A_322 = arith.constant 336 : index
        %get3A_323 = tpu.vector_load %arg5[%get3A_321, %get3A_322] {strides = array<i32>} : memref<32x768xf32, #tpu.memory_space<vmem>>, vector<1x16xf32>,
        %get3A_324 = vector.shape_cast %get3A_323 : vector<1x16xf32> to vector<16xf32>
        %add3A_325 = arith.addf %get3A_320, %get3A_324 : vector<16xf32>
        %swap3A_326 = arith.index_cast %add3A_24 : i32 to index
        %swap3A_327 = arith.constant 336 : index
        %swap3A_328 = tpu.vector_load %arg6[%swap3A_326, %swap3A_327] {strides = array<i32>} : memref<32x768xf32, #tpu.memory_space<vmem>>, vector<1x16xf32>,
        %swap3A_329 = vector.shape_cast %swap3A_328 : vector<1x16xf32> to vector<16xf32>
        %swap3A_330 = vector.shape_cast %add3A_325 : vector<16xf32> to vector<1x16xf32>
        tpu.vector_store %arg6[%swap3A_326, %swap3A_327], %swap3A_330 {strides = array<i32>} : memref<32x768xf32, #tpu.memory_space<vmem>>, vector<1x16xf32>,
        %get3A_331 = arith.index_cast %add3A_24 : i32 to index
        %get3A_332 = arith.constant 352 : index
        %get3A_333 = tpu.vector_load %arg6[%get3A_331, %get3A_332] {strides = array<i32>} : memref<32x768xf32, #tpu.memory_space<vmem>>, vector<1x16xf32>,
        %get3A_334 = vector.shape_cast %get3A_333 : vector<1x16xf32> to vector<16xf32>
        %get3A_335 = arith.index_cast %add3A_24 : i32 to index
        %get3A_336 = arith.constant 352 : index
        %get3A_337 = tpu.vector_load %arg5[%get3A_335, %get3A_336] {strides = array<i32>} : memref<32x768xf32, #tpu.memory_space<vmem>>, vector<1x16xf32>,
        %get3A_338 = vector.shape_cast %get3A_337 : vector<1x16xf32> to vector<16xf32>
        %add3A_339 = arith.addf %get3A_334, %get3A_338 : vector<16xf32>
        %swap3A_340 = arith.index_cast %add3A_24 : i32 to index
        %swap3A_341 = arith.constant 352 : index
        %swap3A_342 = tpu.vector_load %arg6[%swap3A_340, %swap3A_341] {strides = array<i32>} : memref<32x768xf32, #tpu.memory_space<vmem>>, vector<1x16xf32>,
        %swap3A_343 = vector.shape_cast %swap3A_342 : vector<1x16xf32> to vector<16xf32>
        %swap3A_344 = vector.shape_cast %add3A_339 : vector<16xf32> to vector<1x16xf32>
        tpu.vector_store %arg6[%swap3A_340, %swap3A_341], %swap3A_344 {strides = array<i32>} : memref<32x768xf32, #tpu.memory_space<vmem>>, vector<1x16xf32>,
        %get3A_345 = arith.index_cast %add3A_24 : i32 to index
        %get3A_346 = arith.constant 368 : index
        %get3A_347 = tpu.vector_load %arg6[%get3A_345, %get3A_346] {strides = array<i32>} : memref<32x768xf32, #tpu.memory_space<vmem>>, vector<1x16xf32>,
        %get3A_348 = vector.shape_cast %get3A_347 : vector<1x16xf32> to vector<16xf32>
        %get3A_349 = arith.index_cast %add3A_24 : i32 to index
        %get3A_350 = arith.constant 368 : index
        %get3A_351 = tpu.vector_load %arg5[%get3A_349, %get3A_350] {strides = array<i32>} : memref<32x768xf32, #tpu.memory_space<vmem>>, vector<1x16xf32>,
        %get3A_352 = vector.shape_cast %get3A_351 : vector<1x16xf32> to vector<16xf32>
        %add3A_353 = arith.addf %get3A_348, %get3A_352 : vector<16xf32>
        %swap3A_354 = arith.index_cast %add3A_24 : i32 to index
        %swap3A_355 = arith.constant 368 : index
        %swap3A_356 = tpu.vector_load %arg6[%swap3A_354, %swap3A_355] {strides = array<i32>} : memref<32x768xf32, #tpu.memory_space<vmem>>, vector<1x16xf32>,
        %swap3A_357 = vector.shape_cast %swap3A_356 : vector<1x16xf32> to vector<16xf32>
        %swap3A_358 = vector.shape_cast %add3A_353 : vector<16xf32> to vector<1x16xf32>
        tpu.vector_store %arg6[%swap3A_354, %swap3A_355], %swap3A_358 {strides = array<i32>} : memref<32x768xf32, #tpu.memory_space<vmem>>, vector<1x16xf32>,
        %get3A_359 = arith.index_cast %add3A_24 : i32 to index
        %get3A_360 = arith.constant 384 : index
        %get3A_361 = tpu.vector_load %arg6[%get3A_359, %get3A_360] {strides = array<i32>} : memref<32x768xf32, #tpu.memory_space<vmem>>, vector<1x16xf32>,
        %get3A_362 = vector.shape_cast %get3A_361 : vector<1x16xf32> to vector<16xf32>
        %get3A_363 = arith.index_cast %add3A_24 : i32 to index
        %get3A_364 = arith.constant 384 : index
        %get3A_365 = tpu.vector_load %arg5[%get3A_363, %get3A_364] {strides = array<i32>} : memref<32x768xf32, #tpu.memory_space<vmem>>, vector<1x16xf32>,
        %get3A_366 = vector.shape_cast %get3A_365 : vector<1x16xf32> to vector<16xf32>
        %add3A_367 = arith.addf %get3A_362, %get3A_366 : vector<16xf32>
        %swap3A_368 = arith.index_cast %add3A_24 : i32 to index
        %swap3A_369 = arith.constant 384 : index
        %swap3A_370 = tpu.vector_load %arg6[%swap3A_368, %swap3A_369] {strides = array<i32>} : memref<32x768xf32, #tpu.memory_space<vmem>>, vector<1x16xf32>,
        %swap3A_371 = vector.shape_cast %swap3A_370 : vector<1x16xf32> to vector<16xf32>
        %swap3A_372 = vector.shape_cast %add3A_367 : vector<16xf32> to vector<1x16xf32>
        tpu.vector_store %arg6[%swap3A_368, %swap3A_369], %swap3A_372 {strides = array<i32>} : memref<32x768xf32, #tpu.memory_space<vmem>>, vector<1x16xf32>,
        %get3A_373 = arith.index_cast %add3A_24 : i32 to index
        %get3A_374 = arith.constant 400 : index
        %get3A_375 = tpu.vector_load %arg6[%get3A_373, %get3A_374] {strides = array<i32>} : memref<32x768xf32, #tpu.memory_space<vmem>>, vector<1x16xf32>,
        %get3A_376 = vector.shape_cast %get3A_375 : vector<1x16xf32> to vector<16xf32>
        %get3A_377 = arith.index_cast %add3A_24 : i32 to index
        %get3A_378 = arith.constant 400 : index
        %get3A_379 = tpu.vector_load %arg5[%get3A_377, %get3A_378] {strides = array<i32>} : memref<32x768xf32, #tpu.memory_space<vmem>>, vector<1x16xf32>,
        %get3A_380 = vector.shape_cast %get3A_379 : vector<1x16xf32> to vector<16xf32>
        %add3A_381 = arith.addf %get3A_376, %get3A_380 : vector<16xf32>
        %swap3A_382 = arith.index_cast %add3A_24 : i32 to index
        %swap3A_383 = arith.constant 400 : index
        %swap3A_384 = tpu.vector_load %arg6[%swap3A_382, %swap3A_383] {strides = array<i32>} : memref<32x768xf32, #tpu.memory_space<vmem>>, vector<1x16xf32>,
        %swap3A_385 = vector.shape_cast %swap3A_384 : vector<1x16xf32> to vector<16xf32>
        %swap3A_386 = vector.shape_cast %add3A_381 : vector<16xf32> to vector<1x16xf32>
        tpu.vector_store %arg6[%swap3A_382, %swap3A_383], %swap3A_386 {strides = array<i32>} : memref<32x768xf32, #tpu.memory_space<vmem>>, vector<1x16xf32>,
        %get3A_387 = arith.index_cast %add3A_24 : i32 to index
        %get3A_388 = arith.constant 416 : index
        %get3A_389 = tpu.vector_load %arg6[%get3A_387, %get3A_388] {strides = array<i32>} : memref<32x768xf32, #tpu.memory_space<vmem>>, vector<1x16xf32>,
        %get3A_390 = vector.shape_cast %get3A_389 : vector<1x16xf32> to vector<16xf32>
        %get3A_391 = arith.index_cast %add3A_24 : i32 to index
        %get3A_392 = arith.constant 416 : index
        %get3A_393 = tpu.vector_load %arg5[%get3A_391, %get3A_392] {strides = array<i32>} : memref<32x768xf32, #tpu.memory_space<vmem>>, vector<1x16xf32>,
        %get3A_394 = vector.shape_cast %get3A_393 : vector<1x16xf32> to vector<16xf32>
        %add3A_395 = arith.addf %get3A_390, %get3A_394 : vector<16xf32>
        %swap3A_396 = arith.index_cast %add3A_24 : i32 to index
        %swap3A_397 = arith.constant 416 : index
        %swap3A_398 = tpu.vector_load %arg6[%swap3A_396, %swap3A_397] {strides = array<i32>} : memref<32x768xf32, #tpu.memory_space<vmem>>, vector<1x16xf32>,
        %swap3A_399 = vector.shape_cast %swap3A_398 : vector<1x16xf32> to vector<16xf32>
        %swap3A_400 = vector.shape_cast %add3A_395 : vector<16xf32> to vector<1x16xf32>
        tpu.vector_store %arg6[%swap3A_396, %swap3A_397], %swap3A_400 {strides = array<i32>} : memref<32x768xf32, #tpu.memory_space<vmem>>, vector<1x16xf32>,
        %get3A_401 = arith.index_cast %add3A_24 : i32 to index
        %get3A_402 = arith.constant 432 : index
        %get3A_403 = tpu.vector_load %arg6[%get3A_401, %get3A_402] {strides = array<i32>} : memref<32x768xf32, #tpu.memory_space<vmem>>, vector<1x16xf32>,
        %get3A_404 = vector.shape_cast %get3A_403 : vector<1x16xf32> to vector<16xf32>
        %get3A_405 = arith.index_cast %add3A_24 : i32 to index
        %get3A_406 = arith.constant 432 : index
        %get3A_407 = tpu.vector_load %arg5[%get3A_405, %get3A_406] {strides = array<i32>} : memref<32x768xf32, #tpu.memory_space<vmem>>, vector<1x16xf32>,
        %get3A_408 = vector.shape_cast %get3A_407 : vector<1x16xf32> to vector<16xf32>
        %add3A_409 = arith.addf %get3A_404, %get3A_408 : vector<16xf32>
        %swap3A_410 = arith.index_cast %add3A_24 : i32 to index
        %swap3A_411 = arith.constant 432 : index
        %swap3A_412 = tpu.vector_load %arg6[%swap3A_410, %swap3A_411] {strides = array<i32>} : memref<32x768xf32, #tpu.memory_space<vmem>>, vector<1x16xf32>,
        %swap3A_413 = vector.shape_cast %swap3A_412 : vector<1x16xf32> to vector<16xf32>
        %swap3A_414 = vector.shape_cast %add3A_409 : vector<16xf32> to vector<1x16xf32>
        tpu.vector_store %arg6[%swap3A_410, %swap3A_411], %swap3A_414 {strides = array<i32>} : memref<32x768xf32, #tpu.memory_space<vmem>>, vector<1x16xf32>,
        %get3A_415 = arith.index_cast %add3A_24 : i32 to index
        %get3A_416 = arith.constant 448 : index
        %get3A_417 = tpu.vector_load %arg6[%get3A_415, %get3A_416] {strides = array<i32>} : memref<32x768xf32, #tpu.memory_space<vmem>>, vector<1x16xf32>,
        %get3A_418 = vector.shape_cast %get3A_417 : vector<1x16xf32> to vector<16xf32>
        %get3A_419 = arith.index_cast %add3A_24 : i32 to index
        %get3A_420 = arith.constant 448 : index
        %get3A_421 = tpu.vector_load %arg5[%get3A_419, %get3A_420] {strides = array<i32>} : memref<32x768xf32, #tpu.memory_space<vmem>>, vector<1x16xf32>,
        %get3A_422 = vector.shape_cast %get3A_421 : vector<1x16xf32> to vector<16xf32>
        %add3A_423 = arith.addf %get3A_418, %get3A_422 : vector<16xf32>
        %swap3A_424 = arith.index_cast %add3A_24 : i32 to index
        %swap3A_425 = arith.constant 448 : index
        %swap3A_426 = tpu.vector_load %arg6[%swap3A_424, %swap3A_425] {strides = array<i32>} : memref<32x768xf32, #tpu.memory_space<vmem>>, vector<1x16xf32>,
        %swap3A_427 = vector.shape_cast %swap3A_426 : vector<1x16xf32> to vector<16xf32>
        %swap3A_428 = vector.shape_cast %add3A_423 : vector<16xf32> to vector<1x16xf32>
        tpu.vector_store %arg6[%swap3A_424, %swap3A_425], %swap3A_428 {strides = array<i32>} : memref<32x768xf32, #tpu.memory_space<vmem>>, vector<1x16xf32>,
        %get3A_429 = arith.index_cast %add3A_24 : i32 to index
        %get3A_430 = arith.constant 464 : index
        %get3A_431 = tpu.vector_load %arg6[%get3A_429, %get3A_430] {strides = array<i32>} : memref<32x768xf32, #tpu.memory_space<vmem>>, vector<1x16xf32>,
        %get3A_432 = vector.shape_cast %get3A_431 : vector<1x16xf32> to vector<16xf32>
        %get3A_433 = arith.index_cast %add3A_24 : i32 to index
        %get3A_434 = arith.constant 464 : index
        %get3A_435 = tpu.vector_load %arg5[%get3A_433, %get3A_434] {strides = array<i32>} : memref<32x768xf32, #tpu.memory_space<vmem>>, vector<1x16xf32>,
        %get3A_436 = vector.shape_cast %get3A_435 : vector<1x16xf32> to vector<16xf32>
        %add3A_437 = arith.addf %get3A_432, %get3A_436 : vector<16xf32>
        %swap3A_438 = arith.index_cast %add3A_24 : i32 to index
        %swap3A_439 = arith.constant 464 : index
        %swap3A_440 = tpu.vector_load %arg6[%swap3A_438, %swap3A_439] {strides = array<i32>} : memref<32x768xf32, #tpu.memory_space<vmem>>, vector<1x16xf32>,
        %swap3A_441 = vector.shape_cast %swap3A_440 : vector<1x16xf32> to vector<16xf32>
        %swap3A_442 = vector.shape_cast %add3A_437 : vector<16xf32> to vector<1x16xf32>
        tpu.vector_store %arg6[%swap3A_438, %swap3A_439], %swap3A_442 {strides = array<i32>} : memref<32x768xf32, #tpu.memory_space<vmem>>, vector<1x16xf32>,
        %get3A_443 = arith.index_cast %add3A_24 : i32 to index
        %get3A_444 = arith.constant 480 : index
        %get3A_445 = tpu.vector_load %arg6[%get3A_443, %get3A_444] {strides = array<i32>} : memref<32x768xf32, #tpu.memory_space<vmem>>, vector<1x16xf32>,
        %get3A_446 = vector.shape_cast %get3A_445 : vector<1x16xf32> to vector<16xf32>
        %get3A_447 = arith.index_cast %add3A_24 : i32 to index
        %get3A_448 = arith.constant 480 : index
        %get3A_449 = tpu.vector_load %arg5[%get3A_447, %get3A_448] {strides = array<i32>} : memref<32x768xf32, #tpu.memory_space<vmem>>, vector<1x16xf32>,
        %get3A_450 = vector.shape_cast %get3A_449 : vector<1x16xf32> to vector<16xf32>
        %add3A_451 = arith.addf %get3A_446, %get3A_450 : vector<16xf32>
        %swap3A_452 = arith.index_cast %add3A_24 : i32 to index
        %swap3A_453 = arith.constant 480 : index
        %swap3A_454 = tpu.vector_load %arg6[%swap3A_452, %swap3A_453] {strides = array<i32>} : memref<32x768xf32, #tpu.memory_space<vmem>>, vector<1x16xf32>,
        %swap3A_455 = vector.shape_cast %swap3A_454 : vector<1x16xf32> to vector<16xf32>
        %swap3A_456 = vector.shape_cast %add3A_451 : vector<16xf32> to vector<1x16xf32>
        tpu.vector_store %arg6[%swap3A_452, %swap3A_453], %swap3A_456 {strides = array<i32>} : memref<32x768xf32, #tpu.memory_space<vmem>>, vector<1x16xf32>,
        %get3A_457 = arith.index_cast %add3A_24 : i32 to index
        %get3A_458 = arith.constant 496 : index
        %get3A_459 = tpu.vector_load %arg6[%get3A_457, %get3A_458] {strides = array<i32>} : memref<32x768xf32, #tpu.memory_space<vmem>>, vector<1x16xf32>,
        %get3A_460 = vector.shape_cast %get3A_459 : vector<1x16xf32> to vector<16xf32>
        %get3A_461 = arith.index_cast %add3A_24 : i32 to index
        %get3A_462 = arith.constant 496 : index
        %get3A_463 = tpu.vector_load %arg5[%get3A_461, %get3A_462] {strides = array<i32>} : memref<32x768xf32, #tpu.memory_space<vmem>>, vector<1x16xf32>,
        %get3A_464 = vector.shape_cast %get3A_463 : vector<1x16xf32> to vector<16xf32>
        %add3A_465 = arith.addf %get3A_460, %get3A_464 : vector<16xf32>
        %swap3A_466 = arith.index_cast %add3A_24 : i32 to index
        %swap3A_467 = arith.constant 496 : index
        %swap3A_468 = tpu.vector_load %arg6[%swap3A_466, %swap3A_467] {strides = array<i32>} : memref<32x768xf32, #tpu.memory_space<vmem>>, vector<1x16xf32>,
        %swap3A_469 = vector.shape_cast %swap3A_468 : vector<1x16xf32> to vector<16xf32>
        %swap3A_470 = vector.shape_cast %add3A_465 : vector<16xf32> to vector<1x16xf32>
        tpu.vector_store %arg6[%swap3A_466, %swap3A_467], %swap3A_470 {strides = array<i32>} : memref<32x768xf32, #tpu.memory_space<vmem>>, vector<1x16xf32>,
        %get3A_471 = arith.index_cast %add3A_24 : i32 to index
        %get3A_472 = arith.constant 512 : index
        %get3A_473 = tpu.vector_load %arg6[%get3A_471, %get3A_472] {strides = array<i32>} : memref<32x768xf32, #tpu.memory_space<vmem>>, vector<1x16xf32>,
        %get3A_474 = vector.shape_cast %get3A_473 : vector<1x16xf32> to vector<16xf32>
        %get3A_475 = arith.index_cast %add3A_24 : i32 to index
        %get3A_476 = arith.constant 512 : index
        %get3A_477 = tpu.vector_load %arg5[%get3A_475, %get3A_476] {strides = array<i32>} : memref<32x768xf32, #tpu.memory_space<vmem>>, vector<1x16xf32>,
        %get3A_478 = vector.shape_cast %get3A_477 : vector<1x16xf32> to vector<16xf32>
        %add3A_479 = arith.addf %get3A_474, %get3A_478 : vector<16xf32>
        %swap3A_480 = arith.index_cast %add3A_24 : i32 to index
        %swap3A_481 = arith.constant 512 : index
        %swap3A_482 = tpu.vector_load %arg6[%swap3A_480, %swap3A_481] {strides = array<i32>} : memref<32x768xf32, #tpu.memory_space<vmem>>, vector<1x16xf32>,
        %swap3A_483 = vector.shape_cast %swap3A_482 : vector<1x16xf32> to vector<16xf32>
        %swap3A_484 = vector.shape_cast %add3A_479 : vector<16xf32> to vector<1x16xf32>
        tpu.vector_store %arg6[%swap3A_480, %swap3A_481], %swap3A_484 {strides = array<i32>} : memref<32x768xf32, #tpu.memory_space<vmem>>, vector<1x16xf32>,
        %get3A_485 = arith.index_cast %add3A_24 : i32 to index
        %get3A_486 = arith.constant 528 : index
        %get3A_487 = tpu.vector_load %arg6[%get3A_485, %get3A_486] {strides = array<i32>} : memref<32x768xf32, #tpu.memory_space<vmem>>, vector<1x16xf32>,
        %get3A_488 = vector.shape_cast %get3A_487 : vector<1x16xf32> to vector<16xf32>
        %get3A_489 = arith.index_cast %add3A_24 : i32 to index
        %get3A_490 = arith.constant 528 : index
        %get3A_491 = tpu.vector_load %arg5[%get3A_489, %get3A_490] {strides = array<i32>} : memref<32x768xf32, #tpu.memory_space<vmem>>, vector<1x16xf32>,
        %get3A_492 = vector.shape_cast %get3A_491 : vector<1x16xf32> to vector<16xf32>
        %add3A_493 = arith.addf %get3A_488, %get3A_492 : vector<16xf32>
        %swap3A_494 = arith.index_cast %add3A_24 : i32 to index
        %swap3A_495 = arith.constant 528 : index
        %swap3A_496 = tpu.vector_load %arg6[%swap3A_494, %swap3A_495] {strides = array<i32>} : memref<32x768xf32, #tpu.memory_space<vmem>>, vector<1x16xf32>,
        %swap3A_497 = vector.shape_cast %swap3A_496 : vector<1x16xf32> to vector<16xf32>
        %swap3A_498 = vector.shape_cast %add3A_493 : vector<16xf32> to vector<1x16xf32>
        tpu.vector_store %arg6[%swap3A_494, %swap3A_495], %swap3A_498 {strides = array<i32>} : memref<32x768xf32, #tpu.memory_space<vmem>>, vector<1x16xf32>,
        %get3A_499 = arith.index_cast %add3A_24 : i32 to index
        %get3A_500 = arith.constant 544 : index
        %get3A_501 = tpu.vector_load %arg6[%get3A_499, %get3A_500] {strides = array<i32>} : memref<32x768xf32, #tpu.memory_space<vmem>>, vector<1x16xf32>,
        %get3A_502 = vector.shape_cast %get3A_501 : vector<1x16xf32> to vector<16xf32>
        %get3A_503 = arith.index_cast %add3A_24 : i32 to index
        %get3A_504 = arith.constant 544 : index
        %get3A_505 = tpu.vector_load %arg5[%get3A_503, %get3A_504] {strides = array<i32>} : memref<32x768xf32, #tpu.memory_space<vmem>>, vector<1x16xf32>,
        %get3A_506 = vector.shape_cast %get3A_505 : vector<1x16xf32> to vector<16xf32>
        %add3A_507 = arith.addf %get3A_502, %get3A_506 : vector<16xf32>
        %swap3A_508 = arith.index_cast %add3A_24 : i32 to index
        %swap3A_509 = arith.constant 544 : index
        %swap3A_510 = tpu.vector_load %arg6[%swap3A_508, %swap3A_509] {strides = array<i32>} : memref<32x768xf32, #tpu.memory_space<vmem>>, vector<1x16xf32>,
        %swap3A_511 = vector.shape_cast %swap3A_510 : vector<1x16xf32> to vector<16xf32>
        %swap3A_512 = vector.shape_cast %add3A_507 : vector<16xf32> to vector<1x16xf32>
        tpu.vector_store %arg6[%swap3A_508, %swap3A_509], %swap3A_512 {strides = array<i32>} : memref<32x768xf32, #tpu.memory_space<vmem>>, vector<1x16xf32>,
        %get3A_513 = arith.index_cast %add3A_24 : i32 to index
        %get3A_514 = arith.constant 560 : index
        %get3A_515 = tpu.vector_load %arg6[%get3A_513, %get3A_514] {strides = array<i32>} : memref<32x768xf32, #tpu.memory_space<vmem>>, vector<1x16xf32>,
        %get3A_516 = vector.shape_cast %get3A_515 : vector<1x16xf32> to vector<16xf32>
        %get3A_517 = arith.index_cast %add3A_24 : i32 to index
        %get3A_518 = arith.constant 560 : index
        %get3A_519 = tpu.vector_load %arg5[%get3A_517, %get3A_518] {strides = array<i32>} : memref<32x768xf32, #tpu.memory_space<vmem>>, vector<1x16xf32>,
        %get3A_520 = vector.shape_cast %get3A_519 : vector<1x16xf32> to vector<16xf32>
        %add3A_521 = arith.addf %get3A_516, %get3A_520 : vector<16xf32>
        %swap3A_522 = arith.index_cast %add3A_24 : i32 to index
        %swap3A_523 = arith.constant 560 : index
        %swap3A_524 = tpu.vector_load %arg6[%swap3A_522, %swap3A_523] {strides = array<i32>} : memref<32x768xf32, #tpu.memory_space<vmem>>, vector<1x16xf32>,
        %swap3A_525 = vector.shape_cast %swap3A_524 : vector<1x16xf32> to vector<16xf32>
        %swap3A_526 = vector.shape_cast %add3A_521 : vector<16xf32> to vector<1x16xf32>
        tpu.vector_store %arg6[%swap3A_522, %swap3A_523], %swap3A_526 {strides = array<i32>} : memref<32x768xf32, #tpu.memory_space<vmem>>, vector<1x16xf32>,
        %get3A_527 = arith.index_cast %add3A_24 : i32 to index
        %get3A_528 = arith.constant 576 : index
        %get3A_529 = tpu.vector_load %arg6[%get3A_527, %get3A_528] {strides = array<i32>} : memref<32x768xf32, #tpu.memory_space<vmem>>, vector<1x16xf32>,
        %get3A_530 = vector.shape_cast %get3A_529 : vector<1x16xf32> to vector<16xf32>
        %get3A_531 = arith.index_cast %add3A_24 : i32 to index
        %get3A_532 = arith.constant 576 : index
        %get3A_533 = tpu.vector_load %arg5[%get3A_531, %get3A_532] {strides = array<i32>} : memref<32x768xf32, #tpu.memory_space<vmem>>, vector<1x16xf32>,
        %get3A_534 = vector.shape_cast %get3A_533 : vector<1x16xf32> to vector<16xf32>
        %add3A_535 = arith.addf %get3A_530, %get3A_534 : vector<16xf32>
        %swap3A_536 = arith.index_cast %add3A_24 : i32 to index
        %swap3A_537 = arith.constant 576 : index
        %swap3A_538 = tpu.vector_load %arg6[%swap3A_536, %swap3A_537] {strides = array<i32>} : memref<32x768xf32, #tpu.memory_space<vmem>>, vector<1x16xf32>,
        %swap3A_539 = vector.shape_cast %swap3A_538 : vector<1x16xf32> to vector<16xf32>
        %swap3A_540 = vector.shape_cast %add3A_535 : vector<16xf32> to vector<1x16xf32>
        tpu.vector_store %arg6[%swap3A_536, %swap3A_537], %swap3A_540 {strides = array<i32>} : memref<32x768xf32, #tpu.memory_space<vmem>>, vector<1x16xf32>,
        %get3A_541 = arith.index_cast %add3A_24 : i32 to index
        %get3A_542 = arith.constant 592 : index
        %get3A_543 = tpu.vector_load %arg6[%get3A_541, %get3A_542] {strides = array<i32>} : memref<32x768xf32, #tpu.memory_space<vmem>>, vector<1x16xf32>,
        %get3A_544 = vector.shape_cast %get3A_543 : vector<1x16xf32> to vector<16xf32>
        %get3A_545 = arith.index_cast %add3A_24 : i32 to index
        %get3A_546 = arith.constant 592 : index
        %get3A_547 = tpu.vector_load %arg5[%get3A_545, %get3A_546] {strides = array<i32>} : memref<32x768xf32, #tpu.memory_space<vmem>>, vector<1x16xf32>,
        %get3A_548 = vector.shape_cast %get3A_547 : vector<1x16xf32> to vector<16xf32>
        %add3A_549 = arith.addf %get3A_544, %get3A_548 : vector<16xf32>
        %swap3A_550 = arith.index_cast %add3A_24 : i32 to index
        %swap3A_551 = arith.constant 592 : index
        %swap3A_552 = tpu.vector_load %arg6[%swap3A_550, %swap3A_551] {strides = array<i32>} : memref<32x768xf32, #tpu.memory_space<vmem>>, vector<1x16xf32>,
        %swap3A_553 = vector.shape_cast %swap3A_552 : vector<1x16xf32> to vector<16xf32>
        %swap3A_554 = vector.shape_cast %add3A_549 : vector<16xf32> to vector<1x16xf32>
        tpu.vector_store %arg6[%swap3A_550, %swap3A_551], %swap3A_554 {strides = array<i32>} : memref<32x768xf32, #tpu.memory_space<vmem>>, vector<1x16xf32>,
        %get3A_555 = arith.index_cast %add3A_24 : i32 to index
        %get3A_556 = arith.constant 608 : index
        %get3A_557 = tpu.vector_load %arg6[%get3A_555, %get3A_556] {strides = array<i32>} : memref<32x768xf32, #tpu.memory_space<vmem>>, vector<1x16xf32>,
        %get3A_558 = vector.shape_cast %get3A_557 : vector<1x16xf32> to vector<16xf32>
        %get3A_559 = arith.index_cast %add3A_24 : i32 to index
        %get3A_560 = arith.constant 608 : index
        %get3A_561 = tpu.vector_load %arg5[%get3A_559, %get3A_560] {strides = array<i32>} : memref<32x768xf32, #tpu.memory_space<vmem>>, vector<1x16xf32>,
        %get3A_562 = vector.shape_cast %get3A_561 : vector<1x16xf32> to vector<16xf32>
        %add3A_563 = arith.addf %get3A_558, %get3A_562 : vector<16xf32>
        %swap3A_564 = arith.index_cast %add3A_24 : i32 to index
        %swap3A_565 = arith.constant 608 : index
        %swap3A_566 = tpu.vector_load %arg6[%swap3A_564, %swap3A_565] {strides = array<i32>} : memref<32x768xf32, #tpu.memory_space<vmem>>, vector<1x16xf32>,
        %swap3A_567 = vector.shape_cast %swap3A_566 : vector<1x16xf32> to vector<16xf32>
        %swap3A_568 = vector.shape_cast %add3A_563 : vector<16xf32> to vector<1x16xf32>
        tpu.vector_store %arg6[%swap3A_564, %swap3A_565], %swap3A_568 {strides = array<i32>} : memref<32x768xf32, #tpu.memory_space<vmem>>, vector<1x16xf32>,
        %get3A_569 = arith.index_cast %add3A_24 : i32 to index
        %get3A_570 = arith.constant 624 : index
        %get3A_571 = tpu.vector_load %arg6[%get3A_569, %get3A_570] {strides = array<i32>} : memref<32x768xf32, #tpu.memory_space<vmem>>, vector<1x16xf32>,
        %get3A_572 = vector.shape_cast %get3A_571 : vector<1x16xf32> to vector<16xf32>
        %get3A_573 = arith.index_cast %add3A_24 : i32 to index
        %get3A_574 = arith.constant 624 : index
        %get3A_575 = tpu.vector_load %arg5[%get3A_573, %get3A_574] {strides = array<i32>} : memref<32x768xf32, #tpu.memory_space<vmem>>, vector<1x16xf32>,
        %get3A_576 = vector.shape_cast %get3A_575 : vector<1x16xf32> to vector<16xf32>
        %add3A_577 = arith.addf %get3A_572, %get3A_576 : vector<16xf32>
        %swap3A_578 = arith.index_cast %add3A_24 : i32 to index
        %swap3A_579 = arith.constant 624 : index
        %swap3A_580 = tpu.vector_load %arg6[%swap3A_578, %swap3A_579] {strides = array<i32>} : memref<32x768xf32, #tpu.memory_space<vmem>>, vector<1x16xf32>,
        %swap3A_581 = vector.shape_cast %swap3A_580 : vector<1x16xf32> to vector<16xf32>
        %swap3A_582 = vector.shape_cast %add3A_577 : vector<16xf32> to vector<1x16xf32>
        tpu.vector_store %arg6[%swap3A_578, %swap3A_579], %swap3A_582 {strides = array<i32>} : memref<32x768xf32, #tpu.memory_space<vmem>>, vector<1x16xf32>,
        %get3A_583 = arith.index_cast %add3A_24 : i32 to index
        %get3A_584 = arith.constant 640 : index
        %get3A_585 = tpu.vector_load %arg6[%get3A_583, %get3A_584] {strides = array<i32>} : memref<32x768xf32, #tpu.memory_space<vmem>>, vector<1x16xf32>,
        %get3A_586 = vector.shape_cast %get3A_585 : vector<1x16xf32> to vector<16xf32>
        %get3A_587 = arith.index_cast %add3A_24 : i32 to index
        %get3A_588 = arith.constant 640 : index
        %get3A_589 = tpu.vector_load %arg5[%get3A_587, %get3A_588] {strides = array<i32>} : memref<32x768xf32, #tpu.memory_space<vmem>>, vector<1x16xf32>,
        %get3A_590 = vector.shape_cast %get3A_589 : vector<1x16xf32> to vector<16xf32>
        %add3A_591 = arith.addf %get3A_586, %get3A_590 : vector<16xf32>
        %swap3A_592 = arith.index_cast %add3A_24 : i32 to index
        %swap3A_593 = arith.constant 640 : index
        %swap3A_594 = tpu.vector_load %arg6[%swap3A_592, %swap3A_593] {strides = array<i32>} : memref<32x768xf32, #tpu.memory_space<vmem>>, vector<1x16xf32>,
        %swap3A_595 = vector.shape_cast %swap3A_594 : vector<1x16xf32> to vector<16xf32>
        %swap3A_596 = vector.shape_cast %add3A_591 : vector<16xf32> to vector<1x16xf32>
        tpu.vector_store %arg6[%swap3A_592, %swap3A_593], %swap3A_596 {strides = array<i32>} : memref<32x768xf32, #tpu.memory_space<vmem>>, vector<1x16xf32>,
        %get3A_597 = arith.index_cast %add3A_24 : i32 to index
        %get3A_598 = arith.constant 656 : index
        %get3A_599 = tpu.vector_load %arg6[%get3A_597, %get3A_598] {strides = array<i32>} : memref<32x768xf32, #tpu.memory_space<vmem>>, vector<1x16xf32>,
        %get3A_600 = vector.shape_cast %get3A_599 : vector<1x16xf32> to vector<16xf32>
        %get3A_601 = arith.index_cast %add3A_24 : i32 to index
        %get3A_602 = arith.constant 656 : index
        %get3A_603 = tpu.vector_load %arg5[%get3A_601, %get3A_602] {strides = array<i32>} : memref<32x768xf32, #tpu.memory_space<vmem>>, vector<1x16xf32>,
        %get3A_604 = vector.shape_cast %get3A_603 : vector<1x16xf32> to vector<16xf32>
        %add3A_605 = arith.addf %get3A_600, %get3A_604 : vector<16xf32>
        %swap3A_606 = arith.index_cast %add3A_24 : i32 to index
        %swap3A_607 = arith.constant 656 : index
        %swap3A_608 = tpu.vector_load %arg6[%swap3A_606, %swap3A_607] {strides = array<i32>} : memref<32x768xf32, #tpu.memory_space<vmem>>, vector<1x16xf32>,
        %swap3A_609 = vector.shape_cast %swap3A_608 : vector<1x16xf32> to vector<16xf32>
        %swap3A_610 = vector.shape_cast %add3A_605 : vector<16xf32> to vector<1x16xf32>
        tpu.vector_store %arg6[%swap3A_606, %swap3A_607], %swap3A_610 {strides = array<i32>} : memref<32x768xf32, #tpu.memory_space<vmem>>, vector<1x16xf32>,
        %get3A_611 = arith.index_cast %add3A_24 : i32 to index
        %get3A_612 = arith.constant 672 : index
        %get3A_613 = tpu.vector_load %arg6[%get3A_611, %get3A_612] {strides = array<i32>} : memref<32x768xf32, #tpu.memory_space<vmem>>, vector<1x16xf32>,
        %get3A_614 = vector.shape_cast %get3A_613 : vector<1x16xf32> to vector<16xf32>
        %get3A_615 = arith.index_cast %add3A_24 : i32 to index
        %get3A_616 = arith.constant 672 : index
        %get3A_617 = tpu.vector_load %arg5[%get3A_615, %get3A_616] {strides = array<i32>} : memref<32x768xf32, #tpu.memory_space<vmem>>, vector<1x16xf32>,
        %get3A_618 = vector.shape_cast %get3A_617 : vector<1x16xf32> to vector<16xf32>
        %add3A_619 = arith.addf %get3A_614, %get3A_618 : vector<16xf32>
        %swap3A_620 = arith.index_cast %add3A_24 : i32 to index
        %swap3A_621 = arith.constant 672 : index
        %swap3A_622 = tpu.vector_load %arg6[%swap3A_620, %swap3A_621] {strides = array<i32>} : memref<32x768xf32, #tpu.memory_space<vmem>>, vector<1x16xf32>,
        %swap3A_623 = vector.shape_cast %swap3A_622 : vector<1x16xf32> to vector<16xf32>
        %swap3A_624 = vector.shape_cast %add3A_619 : vector<16xf32> to vector<1x16xf32>
        tpu.vector_store %arg6[%swap3A_620, %swap3A_621], %swap3A_624 {strides = array<i32>} : memref<32x768xf32, #tpu.memory_space<vmem>>, vector<1x16xf32>,
        %get3A_625 = arith.index_cast %add3A_24 : i32 to index
        %get3A_626 = arith.constant 688 : index
        %get3A_627 = tpu.vector_load %arg6[%get3A_625, %get3A_626] {strides = array<i32>} : memref<32x768xf32, #tpu.memory_space<vmem>>, vector<1x16xf32>,
        %get3A_628 = vector.shape_cast %get3A_627 : vector<1x16xf32> to vector<16xf32>
        %get3A_629 = arith.index_cast %add3A_24 : i32 to index
        %get3A_630 = arith.constant 688 : index
        %get3A_631 = tpu.vector_load %arg5[%get3A_629, %get3A_630] {strides = array<i32>} : memref<32x768xf32, #tpu.memory_space<vmem>>, vector<1x16xf32>,
        %get3A_632 = vector.shape_cast %get3A_631 : vector<1x16xf32> to vector<16xf32>
        %add3A_633 = arith.addf %get3A_628, %get3A_632 : vector<16xf32>
        %swap3A_634 = arith.index_cast %add3A_24 : i32 to index
        %swap3A_635 = arith.constant 688 : index
        %swap3A_636 = tpu.vector_load %arg6[%swap3A_634, %swap3A_635] {strides = array<i32>} : memref<32x768xf32, #tpu.memory_space<vmem>>, vector<1x16xf32>,
        %swap3A_637 = vector.shape_cast %swap3A_636 : vector<1x16xf32> to vector<16xf32>
        %swap3A_638 = vector.shape_cast %add3A_633 : vector<16xf32> to vector<1x16xf32>
        tpu.vector_store %arg6[%swap3A_634, %swap3A_635], %swap3A_638 {strides = array<i32>} : memref<32x768xf32, #tpu.memory_space<vmem>>, vector<1x16xf32>,
        %get3A_639 = arith.index_cast %add3A_24 : i32 to index
        %get3A_640 = arith.constant 704 : index
        %get3A_641 = tpu.vector_load %arg6[%get3A_639, %get3A_640] {strides = array<i32>} : memref<32x768xf32, #tpu.memory_space<vmem>>, vector<1x16xf32>,
        %get3A_642 = vector.shape_cast %get3A_641 : vector<1x16xf32> to vector<16xf32>
        %get3A_643 = arith.index_cast %add3A_24 : i32 to index
        %get3A_644 = arith.constant 704 : index
        %get3A_645 = tpu.vector_load %arg5[%get3A_643, %get3A_644] {strides = array<i32>} : memref<32x768xf32, #tpu.memory_space<vmem>>, vector<1x16xf32>,
        %get3A_646 = vector.shape_cast %get3A_645 : vector<1x16xf32> to vector<16xf32>
        %add3A_647 = arith.addf %get3A_642, %get3A_646 : vector<16xf32>
        %swap3A_648 = arith.index_cast %add3A_24 : i32 to index
        %swap3A_649 = arith.constant 704 : index
        %swap3A_650 = tpu.vector_load %arg6[%swap3A_648, %swap3A_649] {strides = array<i32>} : memref<32x768xf32, #tpu.memory_space<vmem>>, vector<1x16xf32>,
        %swap3A_651 = vector.shape_cast %swap3A_650 : vector<1x16xf32> to vector<16xf32>
        %swap3A_652 = vector.shape_cast %add3A_647 : vector<16xf32> to vector<1x16xf32>
        tpu.vector_store %arg6[%swap3A_648, %swap3A_649], %swap3A_652 {strides = array<i32>} : memref<32x768xf32, #tpu.memory_space<vmem>>, vector<1x16xf32>,
        %get3A_653 = arith.index_cast %add3A_24 : i32 to index
        %get3A_654 = arith.constant 720 : index
        %get3A_655 = tpu.vector_load %arg6[%get3A_653, %get3A_654] {strides = array<i32>} : memref<32x768xf32, #tpu.memory_space<vmem>>, vector<1x16xf32>,
        %get3A_656 = vector.shape_cast %get3A_655 : vector<1x16xf32> to vector<16xf32>
        %get3A_657 = arith.index_cast %add3A_24 : i32 to index
        %get3A_658 = arith.constant 720 : index
        %get3A_659 = tpu.vector_load %arg5[%get3A_657, %get3A_658] {strides = array<i32>} : memref<32x768xf32, #tpu.memory_space<vmem>>, vector<1x16xf32>,
        %get3A_660 = vector.shape_cast %get3A_659 : vector<1x16xf32> to vector<16xf32>
        %add3A_661 = arith.addf %get3A_656, %get3A_660 : vector<16xf32>
        %swap3A_662 = arith.index_cast %add3A_24 : i32 to index
        %swap3A_663 = arith.constant 720 : index
        %swap3A_664 = tpu.vector_load %arg6[%swap3A_662, %swap3A_663] {strides = array<i32>} : memref<32x768xf32, #tpu.memory_space<vmem>>, vector<1x16xf32>,
        %swap3A_665 = vector.shape_cast %swap3A_664 : vector<1x16xf32> to vector<16xf32>
        %swap3A_666 = vector.shape_cast %add3A_661 : vector<16xf32> to vector<1x16xf32>
        tpu.vector_store %arg6[%swap3A_662, %swap3A_663], %swap3A_666 {strides = array<i32>} : memref<32x768xf32, #tpu.memory_space<vmem>>, vector<1x16xf32>,
        %get3A_667 = arith.index_cast %add3A_24 : i32 to index
        %get3A_668 = arith.constant 736 : index
        %get3A_669 = tpu.vector_load %arg6[%get3A_667, %get3A_668] {strides = array<i32>} : memref<32x768xf32, #tpu.memory_space<vmem>>, vector<1x16xf32>,
        %get3A_670 = vector.shape_cast %get3A_669 : vector<1x16xf32> to vector<16xf32>
        %get3A_671 = arith.index_cast %add3A_24 : i32 to index
        %get3A_672 = arith.constant 736 : index
        %get3A_673 = tpu.vector_load %arg5[%get3A_671, %get3A_672] {strides = array<i32>} : memref<32x768xf32, #tpu.memory_space<vmem>>, vector<1x16xf32>,
        %get3A_674 = vector.shape_cast %get3A_673 : vector<1x16xf32> to vector<16xf32>
        %add3A_675 = arith.addf %get3A_670, %get3A_674 : vector<16xf32>
        %swap3A_676 = arith.index_cast %add3A_24 : i32 to index
        %swap3A_677 = arith.constant 736 : index
        %swap3A_678 = tpu.vector_load %arg6[%swap3A_676, %swap3A_677] {strides = array<i32>} : memref<32x768xf32, #tpu.memory_space<vmem>>, vector<1x16xf32>,
        %swap3A_679 = vector.shape_cast %swap3A_678 : vector<1x16xf32> to vector<16xf32>
        %swap3A_680 = vector.shape_cast %add3A_675 : vector<16xf32> to vector<1x16xf32>
        tpu.vector_store %arg6[%swap3A_676, %swap3A_677], %swap3A_680 {strides = array<i32>} : memref<32x768xf32, #tpu.memory_space<vmem>>, vector<1x16xf32>,
        %get3A_681 = arith.index_cast %add3A_24 : i32 to index
        %get3A_682 = arith.constant 752 : index
        %get3A_683 = tpu.vector_load %arg6[%get3A_681, %get3A_682] {strides = array<i32>} : memref<32x768xf32, #tpu.memory_space<vmem>>, vector<1x16xf32>,
        %get3A_684 = vector.shape_cast %get3A_683 : vector<1x16xf32> to vector<16xf32>
        %get3A_685 = arith.index_cast %add3A_24 : i32 to index
        %get3A_686 = arith.constant 752 : index
        %get3A_687 = tpu.vector_load %arg5[%get3A_685, %get3A_686] {strides = array<i32>} : memref<32x768xf32, #tpu.memory_space<vmem>>, vector<1x16xf32>,
        %get3A_688 = vector.shape_cast %get3A_687 : vector<1x16xf32> to vector<16xf32>
        %add3A_689 = arith.addf %get3A_684, %get3A_688 : vector<16xf32>
        %swap3A_690 = arith.index_cast %add3A_24 : i32 to index
        %swap3A_691 = arith.constant 752 : index
        %swap3A_692 = tpu.vector_load %arg6[%swap3A_690, %swap3A_691] {strides = array<i32>} : memref<32x768xf32, #tpu.memory_space<vmem>>, vector<1x16xf32>,
        %swap3A_693 = vector.shape_cast %swap3A_692 : vector<1x16xf32> to vector<16xf32>
        %swap3A_694 = vector.shape_cast %add3A_689 : vector<16xf32> to vector<1x16xf32>
        tpu.vector_store %arg6[%swap3A_690, %swap3A_691], %swap3A_694 {strides = array<i32>} : memref<32x768xf32, #tpu.memory_space<vmem>>, vector<1x16xf32>,
      }
      %scan3A_19 = arith.constant 32 : i32
      "tpu.region"() ({
        %run_scoped3A = tpu.sem_alloc : memref<!tpu.dma_semaphore, #tpu.memory_space<semaphore_mem>>
        %dma_start3A = arith.constant 0 : i32
        %dma_start3A_20 = tpu.memref_slice %arg4[%add3A_14, %dma_start3A] : memref<65536x768xf32, #tpu.memory_space<hbm>> -> memref<32x768xf32, #tpu.memory_space<hbm>>
        %dma_start3A_21 = arith.constant 0 : i32
        %dma_start3A_22 = tpu.memref_slice %arg4[%add3A_14, %dma_start3A_21] : memref<65536x768xf32, #tpu.memory_space<hbm>> -> memref<32x768xf32, #tpu.memory_space<hbm>>
        tpu.enqueue_dma source(%arg6 : memref<32x768xf32, #tpu.memory_space<vmem>>) target(%dma_start3A_22 : memref<32x768xf32, #tpu.memory_space<hbm>>) target_semaphore(%run_scoped3A : memref<!tpu.dma_semaphore, #tpu.memory_space<semaphore_mem>>)
        %dma_wait3A = arith.constant 0 : i32
        %dma_wait3A_23 = tpu.memref_slice %arg4[%add3A_14, %dma_wait3A] : memref<65536x768xf32, #tpu.memory_space<hbm>> -> memref<32x768xf32, #tpu.memory_space<hbm>>
        %dma_wait3A_24 = arith.constant 0 : i32
        %dma_wait3A_25 = tpu.memref_slice %arg4[%add3A_14, %dma_wait3A_24] : memref<65536x768xf32, #tpu.memory_space<hbm>> -> memref<32x768xf32, #tpu.memory_space<hbm>>
        tpu.wait_dma2 semaphore(%run_scoped3A : memref<!tpu.dma_semaphore, #tpu.memory_space<semaphore_mem>>) src(%arg6 : memref<32x768xf32, #tpu.memory_space<vmem>>) dst(%dma_wait3A_25 : memref<32x768xf32, #tpu.memory_space<hbm>>)
        tpu.yield
      }) : () -> ()
    }
    %scan3A_6 = arith.constant 64 : i32
    return
  }
}

</mosaic_0001>

<sc_bundles>
// kernel: kernel.3.cloned.1.call-start
scs
__scs_entry_jumppad:
0x0: {  	(pc) =	sbr.rel $0x88, $3  }
0x1: {  	(tag) =	ssettag $0x0;
	lr =	simm.s32 $0x1  }
0x2: {  	[smem:$0x3F9F] =	sst lr;
	_ =	strace $0xD0000000  }
0x3: {  	_ = 	snop  }
0x4: {  	_ = 	snop  }
0x5: {  	_ = 	snop  }
0x6: {  	_ = 	snop  }
0x7: {  	_ = 	snop  }
__scs_overlays_trampoline_lowered:
0x8: {  	[smem:$0x3FAE] =	sst s0  }
0x9: {  	[smem:$0x3FAF] =	sst s1  }
0xa: {  	[smem:$0x3FB0] =	sst s2  }
0xb: {  	[smem:$0x3FB1] =	sst s3  }
0xc: {  	[smem:$0x3FB2] =	sst s4  }
0xd: {  	[smem:$0x3FB3] =	sst s5  }
0xe: {  	[smem:$0x3FB4] =	sst s6  }
0xf: {  	[smem:$0x3FB5] =	sst s7  }
0x10: {  	[smem:$0x3FB6] =	sst s8  }
0x11: {  	[smem:$0x3FB7] =	sst s9;
	s0 =	simm.s32 @!p0 $0x0  }
0x12: {  	s1 =	sld [smem:$0x3F9D];
	s0 =	simm.s32 @p0 $0x1  }
0x13: {  	[smem:$0x3FB8] =	sst s0;
	s0 =	simm.s32 @!p1 $0x0  }
0x14: {  	s2 =	sld [smem:$0x3F9C];
	s0 =	simm.s32 @p1 $0x1  }
0x15: {  	[smem:$0x3FB9] =	sst s0;
	s0 =	simm.s32 @!p2 $0x0  }
0x16: {  	s3 =	sld [smem:$0x3FDB];
	s0 =	simm.s32 @p2 $0x1  }
0x17: {  	s4 =	simm.s32 $0x1BF5;
	[smem:$0x3FBB] =	sst s0  }
0x18: {  	s0 =	sld [smem:$0x3F9E];
	_ =	swait.ge [sflag:s4], $0x0  }
0x19: {  	s7 =	sld [smem:$0x3F9F]  }
0x1a: {  	s8 =	sadd.s32 $0xFFFFE003, lr  }
0x1b: {  	s9 =	sadd.s32 $0xFFFFFEF7, lr;
	s5 =	simm.s32 $0xFFFFFFFF;
	p2 =	slt.u32 s8, $0xFFFFF086  }
0x1c: {  	p1 =	slt.u32 s9, $0xF7A;
	s5 =	simm.s32 @!p2 $0x0  }
0x1d: {  	s5 =	simm.s32 @p1 $0x1;
	p0 =	seq.s32 s7, s2  }
0x1e: {  	s7 =	smul.u32 @!p0 $0xF7A, s2;
	p2 =	seq.s32 @!p0 s5, $0x0  }
0x1f: {  	s9 =	smul.u32 $0xF7A, s1;
	s8 =	simm.s32 @!p0 $0x1BF5;
	p2 =	por !p2, p0  }
0x20: {  	[sflag:s8] =	ssyncset.s32 @!p0 $0xFFFFF086;
	s6 =	sadd.s32 @!p0 s3, s7;
	s7 =	simm.s32 @!p0 $0x108  }
0x21: {  	s3 =	sadd.s32 s3, s9;
	s6 =	sadd.s32 @!p0 $0x88, s6;
	s7 =	simm.s32 @p2 $0x1082  }
0x22: {  	[simem:s7], [sflag:s8] =	dma.local @!p0 [hbm:s6], $0xF7A  }
0x23: {  	s9 =	sor.u32 $0xD0000000, s2;
	s6 =	simm.s32 $0x108;
	_ =	swait.ge @!p0 [sflag:s8], $0x0  }
0x24: {  	s3 =	sadd.s32 $0x88, s3;
	s6 =	simm.s32 @!p1 $0x1082;
	[sflag:s4] =	ssyncset.s32 $0xFFFFF086  }
0x25: {  	[simem:s6], [sflag:s4] =	dma.local [hbm:s3], $0xF7A  }
0x26: {  	[smem:$0x3F9F] =	sst s1;
	(tag) =	ssettag s2;
	_ =	strace s9  }
0x27: {  	s1 =	sld [smem:$0x3FAF]  }
0x28: {  	s2 =	sld [smem:$0x3FB0]  }
0x29: {  	s4 =	sld [smem:$0x3FB2]  }
0x2a: {  	p0 =	seq.s32 s5, $0x0;
	s5 =	sld [smem:$0x3FB3]  }
0x2b: {  	s6 =	sld [smem:$0x3FB4]  }
0x2c: {  	s7 =	sld [smem:$0x3FB5]  }
0x2d: {  	s3 =	simm.s32 $0x108;
	s8 =	sld [smem:$0x3FB6]  }
0x2e: {  	s3 =	simm.s32 @!p0 $0x1082;
	s9 =	sld [smem:$0x3FB7]  }
0x2f: {  	lr =	sadd.s32 s0, s3;
	s0 =	sld [smem:$0x3FAE]  }
0x30: {  	s3 =	sld [smem:$0x3FB1]  }
0x31: {  	[smem:$0x3FBA] =	sst s10  }
0x32: {  	s10 =	sld [smem:$0x3FB8];
	_ =	sdelay $0x3  }
0x33: {  	p0 =	seq.s32 s10, $0x1;
	s10 =	sld [smem:$0x3FBA];
	_ =	sdelay $0x3  }
0x34: {  	[smem:$0x3FBA] =	sst s10  }
0x35: {  	s10 =	sld [smem:$0x3FB9];
	_ =	sdelay $0x3  }
0x36: {  	p1 =	seq.s32 s10, $0x1;
	s10 =	sld [smem:$0x3FBA];
	_ =	sdelay $0x3  }
0x37: {  	[smem:$0x3FBA] =	sst s10  }
0x38: {  	s10 =	sld [smem:$0x3FBB]  }
0x39: {  	_ = 	snop;
	(pc) =	sbr.ind lr, $3  }
0x3a: {  	_ = 	snop  }
0x3b: {  	_ = 	snop  }
0x3c: {  	p2 =	seq.s32 s10, $0x1;
	s10 =	sld [smem:$0x3FBA]  }
0x3d: {  	_ =	shalt  }
0x3e: {  	_ =	shalt  }
0x3f: {  	_ =	shalt  }
0x40: {  	_ =	shalt  }
0x41: {  	_ =	shalt  }
0x42: {  	_ =	shalt  }
0x43: {  	_ =	shalt  }
0x44: {  	_ =	shalt  }
0x45: {  	_ =	shalt  }
0x46: {  	_ =	shalt  }
0x47: {  	_ =	shalt  }
0x48: {  	_ =	shalt  }
0x49: {  	_ =	shalt  }
0x4a: {  	_ =	shalt  }
0x4b: {  	_ =	shalt  }
0x4c: {  	_ =	shalt  }
0x4d: {  	_ =	shalt  }
0x4e: {  	_ =	shalt  }
0x4f: {  	_ =	shalt  }
0x50: {  	_ =	shalt  }
0x51: {  	_ =	shalt  }
0x52: {  	_ =	shalt  }
0x53: {  	_ =	shalt  }
0x54: {  	_ =	shalt  }
0x55: {  	_ =	shalt  }
0x56: {  	_ =	shalt  }
0x57: {  	_ =	shalt  }
0x58: {  	_ =	shalt  }
0x59: {  	_ =	shalt  }
0x5a: {  	_ =	shalt  }
0x5b: {  	_ =	shalt  }
0x5c: {  	_ =	shalt  }
0x5d: {  	_ =	shalt  }
0x5e: {  	_ =	shalt  }
0x5f: {  	_ =	shalt  }
0x60: {  	_ =	shalt  }
0x61: {  	_ =	shalt  }
0x62: {  	_ =	shalt  }
0x63: {  	_ =	shalt  }
0x64: {  	_ =	shalt  }
0x65: {  	_ =	shalt  }
0x66: {  	_ =	shalt  }
0x67: {  	_ =	shalt  }
0x68: {  	_ =	shalt  }
0x69: {  	_ =	shalt  }
0x6a: {  	_ =	shalt  }
0x6b: {  	_ =	shalt  }
0x6c: {  	_ =	shalt  }
0x6d: {  	_ =	shalt  }
0x6e: {  	_ =	shalt  }
0x6f: {  	_ =	shalt  }
0x70: {  	_ =	shalt  }
0x71: {  	_ =	shalt  }
0x72: {  	_ =	shalt  }
0x73: {  	_ =	shalt  }
0x74: {  	_ =	shalt  }
0x75: {  	_ =	shalt  }
0x76: {  	_ =	shalt  }
0x77: {  	_ =	shalt  }
0x78: {  	_ =	shalt  }
0x79: {  	_ =	shalt  }
0x7a: {  	_ =	shalt  }
0x7b: {  	_ =	shalt  }
0x7c: {  	_ =	shalt  }
0x7d: {  	_ =	shalt  }
0x7e: {  	_ =	shalt  }
0x7f: {  	_ =	shalt  }
0x80: {  	_ =	shalt  }
0x81: {  	_ =	shalt  }
0x82: {  	_ =	shalt  }
0x83: {  	_ =	shalt  }
0x84: {  	_ =	shalt  }
0x85: {  	_ =	shalt  }
0x86: {  	_ =	shalt  }
0x87: {  	_ =	shalt  }
.Lfunc_end0:
.L_simem_size_0:
called_computation_lowered:
.L_overlay_start_0:
0x88: {  	s2 =	sld [smem:$0x3FD9]  }
0x89: {  	s3 =	sld [smem:$0x3FFE];
	_ =	sdelay $0x1  }
0x8a: {  	s1 =	srdreg.scid  }
0x8b: {  	s0 =	sand.u32 $0x1, s1  }
0x8c: {  	s18 =	sshll.u32 s0, $0xA;
	s2 =	sadd.s32 s3, s2  }
0x8d: {  	s2 =	sadd.s32 s2, s18  }
0x8e: {  	[smem:$0x3FC6] =	sst s2  }
0x8f: {  	_ = 	snop  }
0x90: {  	s2 =	sld [smem:$0x3FC9]  }
0x91: {  	s19 =	sld [smem:$0x3FC8]  }
0x92: {  	s4 =	sld [smem:$0x3FD0];
	(tm) =	ssettm $0x1  }
0x93: {  	s5 =	sld [smem:$0x3FFB];
	_ =	sdelay $0x3  }
0x94: {  	_ =	strace s5  }
0x95: {  	s5 =	sld [smem:$0x3FFC];
	_ =	sdelay $0x3  }
0x96: {  	_ =	strace s5  }
0x97: {  	s5 =	sld [smem:$0x3FFD];
	_ =	sdelay $0x3  }
0x98: {  	_ =	strace s5  }
0x99: {  	_ =	strace $0x8FFFFFFF  }
0x9a: {  	s20 =	sld [smem:$0x3FDB];
	_ =	sdelay $0x1  }
0x9b: {  	s6 =	simm.s32 $_scs_section_size  }
0x9c: {  	s7 =	simm.s32 $_size__tile_overlayer_lowered;
	s8 =	simm.s32 $_tile_overlayer_lowered  }
0x9d: {  	s23 =	simm.s32 $0x1BFF;
	s22 =	sshll.u32 s8, $0x1;
	s5 =	sadd.s32 s6, s20  }
0x9e: {  	s9 =	simm.s32 $0x0;
	s21 =	sshll.u32 s7, $0x1;
	s7 =	sadd.s32 s22, s5  }
0x9f: {  	[timem:s9], [sflag:s23] =	dma.local [hbm:s7], s21  }
0xa0: {  	_ =	swait.ge [sflag:s23], s21  }
0xa1: {  	s6 =	ssub.s32 $0x0, s21;
	[sflag:s23] =	ssyncset.done $0x0  }
0xa2: {  	[sflag:s23] =	ssyncadd.s32 s6;
	_ =	sdelay $0x1  }
0xa3: {  	s24 =	simm.s32 $0x1B8B  }
0xa4: {  	_ =	swait.ge [sflag:s24], $0x1  }
0xa5: {  	[sflag:s24] =	ssyncset.done $0x0  }
0xa6: {  	s25 =	simm.s32 $0x1B8E;
	[sflag:s24] =	ssyncadd.s32 $0xFFFFFFFF  }
0xa7: {  	s26 =	simm.s32 $execute0_lowered;
	[smem:$0x3FD2] =	sst s25  }
0xa8: {  	s6 =	sshll.u32 s26, $0x1;
	_ =	strace $0x80000046;
	[dreg:$0x1] =	wrdreg $0xFFFFFFFF  }
0xa9: {  	s28 =	simm.s32 $_size_execute0_lowered;
	s5 =	sadd.s32 s5, s6;
	[dreg:$0x0] =	wrdreg $0x0  }
0xaa: {  	s6 =	sshll.u32 s28, $0x1;
	[dreg:$0x2] =	wrdreg s5  }
0xab: {  	[dreg:$0x3] =	wrdreg s6  }
0xac: {  	[dreg:$0x4] =	wrdreg $0xC0  }
0xad: {  	_ =	task [dreg:s9], $0x5FFFF  }
0xae: {  	[dreg:$0x1] =	wrdreg $0xFFFFFFFF  }
0xaf: {  	[dreg:$0x0] =	wrdreg $0x60  }
0xb0: {  	[dreg:$0x2] =	wrdreg s2  }
0xb1: {  	[dreg:$0x3] =	wrdreg s19  }
0xb2: {  	[dreg:$0x4] =	wrdreg s4  }
0xb3: {  	[dreg:$0x5] =	wrdreg $0x9  }
0xb4: {  	_ =	task.clear_ibuf [dreg:s9], $0x6FFFF;
	_ =	strace $0x90000046  }
0xb5: {  	s29 =	simm.s32 $0x9;
	_ =	strace $0x80000048  }
0xb6: {  	_ =	swait.ge [sflag:s29], $0x1  }
0xb7: {  	[sflag:s29] =	ssyncadd.s32 $0xFFFFFFFF  }
0xb8: {  	_ =	strace $0x90000048  }
0xb9: {  	_ =	sfence  }
0xba: {  	s30 =	sld [smem:$0x0];
	_ =	sdelay $0x2  }
0xbb: {  	s31 =	sshll.u32 s1, $0xD;
	s1 =	sshrl.u32 s1, $0x2  }
0xbc: {  	s3 =	sand.u32 $0x4000, s31;
	s1 =	sadd.s32 s1, s30  }
0xbd: {  	s0 =	sor.u32 s3, s0;
	s1 =	sshll.u32 s1, $0x11  }
0xbe: {  	s0 =	sor.u32 s1, s0  }
0xbf: {  	s0 =	sadd.s32 $0x8F2B, s0  }
0xc0: {  	[sflag:s0] =	ssyncadd.remote.s32 $0x1  }
0xc1: {  	_ =	sfence.sel $0xFFFF  }
0xc2: {  	[dreg:$0x0] =	wrdreg $0xFFFFFFFF;
	(pc) =	sbr.abs _section_cstart, $3  }
0xc3: {  	[dreg:$0x1] =	wrdreg $0xFFFFFFFF  }
0xc4: {  	_ =	task.clear_ibuf [dreg:s9], $0x2FFFF;
	_ =	strace $0x9FFFFFFF  }
0xc5: {  	(tm) =	ssettm $0x7FFFFFFF  }
tec
execute0_lowered:
.L_overlay_start_1:
0x0: {  	(tag) =	ssettag $0x1  }
0x1: {  	s2 =	srdreg.scid;
	s1 =	rddreg [dreg:$0x0]  }
0x2: {  	s0 =	stileid.u32;
	s6 =	rddreg [dreg:$0x1];
	s5 =	sand.u32 $0x1, s2  }
0x3: {  	s3 =	rddreg [dreg:$0x2];
	s31 =	sshll.u32 s0, $0x6;
	s4 =	sshll.u32 s5, $0x5  }
0x4: {  	s10 =	simm.s32 $0x0;
	s2 =	rddreg [dreg:$0x3];
	s4 =	sor.u32 s4, s31  }
0x5: {  	s7 =	ssub.s32 $0x2, s5;
	s5 =	simm.s32 $0x0;
	s8 =	sshrl.u32 s4, $0x3  }
0x6: {  	s9 =	sshrl.u32 s7, $0x1;
	[smem:$0x7FF] =	sst s5;
	s8 =	smul.u32 $0x300, s8  }
0x7: {  	s7 =	ssub.s32 s7, s9;
	_ =	strace $0x80000047;
	s9 =	simm.s32 $0x6000  }
0x8: {  	s7 =	smax.u32 s7, $0x1;
	s6 =	sadd.s32 s6, s8;
	s8 =	simm.s32 $0x1  }
.LBB2_1:
0x9: {  	[tilespmem:s5], [sflag:$0x1] =	stream.linear.gather [hbm4b:s6+s5], $0x6000, $0x38;
	[tilespmem:$0xC000] =	vst v63  }
0xa: {  	_ =	swait.ge [sflag:s8], $0x6000  }
0xb: {  	[sflag:s8] =	ssyncset.done $0x0  }
0xc: {  	s11 =	simm.s32 $0x0;
	[sflag:s8] =	ssyncadd.s32 $0xFFFFA000  }
.LBB2_2:
0xd: {  	s12 =	sshll.u32 s11, $0xA  }
0xe: {  	s12 =	sor.u32 s4, s12  }
0xf: {  	s12 =	sshrl.u32 s12, $0x3  }
0x10: {  	s12 =	smul.u32 $0x300, s12;
	_ =	sdelay $0x1  }
0x11: {  	s14 =	simm.s32 $0x0;
	s31 =	simm.s32 $0x0;
	s13 =	sadd.s32 s1, s12  }
0x12: {  	[tilespmem:s9], [sflag:$0x1] =	stream.linear.gather [hbm4b:s13+s14], $0x6000, $0x38;
	[tilespmem:$0xC000] =	vst v63  }
0x13: {  	s13 =	smul.u32 $0x1800, s31;
	_ =	swait.ge [sflag:s8], $0x6000  }
0x14: {  	s15 =	sand.u32 $0x380, s14;
	[sflag:s8] =	ssyncset.done $0x0  }
0x15: {  	s13 =	sor.u32 s15, s13;
	[sflag:s8] =	ssyncadd.s32 $0xFFFFA000  }
0x16: {  	v9 =	vld [tilespmem:s13+$0x0]  }
0x17: {  	v10 =	vld [tilespmem:s13+$0x10]  }
0x18: {  	v11 =	vld [tilespmem:s13+$0x20]  }
0x19: {  	v12 =	vld [tilespmem:s13+$0x30]  }
0x1a: {  	v13 =	vld [tilespmem:s13+$0x40]  }
0x1b: {  	v14 =	vld [tilespmem:s13+$0x50]  }
0x1c: {  	v15 =	vld [tilespmem:s13+$0x60]  }
0x1d: {  	v16 =	vld [tilespmem:s13+$0x70]  }
0x1e: {  	v17 =	vld [tilespmem:s13+$0x400]  }
0x1f: {  	v18 =	vld [tilespmem:s13+$0x410]  }
0x20: {  	v19 =	vld [tilespmem:s13+$0x420]  }
0x21: {  	v20 =	vld [tilespmem:s13+$0x430]  }
0x22: {  	v21 =	vld [tilespmem:s13+$0x440]  }
0x23: {  	v22 =	vld [tilespmem:s13+$0x450]  }
0x24: {  	v23 =	vld [tilespmem:s13+$0x460]  }
0x25: {  	v24 =	vld [tilespmem:s13+$0x470]  }
0x26: {  	v25 =	vld [tilespmem:s13+$0x800]  }
0x27: {  	v26 =	vld [tilespmem:s13+$0x810]  }
0x28: {  	v27 =	vld [tilespmem:s13+$0x820]  }
0x29: {  	v28 =	vld [tilespmem:s13+$0x830]  }
0x2a: {  	v29 =	vld [tilespmem:s13+$0x840]  }
0x2b: {  	v30 =	vld [tilespmem:s13+$0x850]  }
0x2c: {  	v31 =	vld [tilespmem:s13+$0x860]  }
0x2d: {  	v32 =	vld [tilespmem:s13+$0x870]  }
0x2e: {  	v33 =	vld [tilespmem:s13+$0xC00]  }
0x2f: {  	v34 =	vld [tilespmem:s13+$0xC10]  }
0x30: {  	v35 =	vld [tilespmem:s13+$0xC20]  }
0x31: {  	v36 =	vld [tilespmem:s13+$0xC30]  }
0x32: {  	v37 =	vld [tilespmem:s13+$0xC40]  }
0x33: {  	v38 =	vld [tilespmem:s13+$0xC50]  }
0x34: {  	v39 =	vld [tilespmem:s13+$0xC60]  }
0x35: {  	v40 =	vld [tilespmem:s13+$0xC70]  }
0x36: {  	v41 =	vld [tilespmem:s13+$0x1000]  }
0x37: {  	v42 =	vld [tilespmem:s13+$0x1010]  }
0x38: {  	v43 =	vld [tilespmem:s13+$0x1020]  }
0x39: {  	v44 =	vld [tilespmem:s13+$0x1030]  }
0x3a: {  	v45 =	vld [tilespmem:s13+$0x1040]  }
0x3b: {  	v46 =	vld [tilespmem:s13+$0x1050]  }
0x3c: {  	v47 =	vld [tilespmem:s13+$0x1060]  }
0x3d: {  	v8 =	vld [tilespmem:s13+$0x1070]  }
0x3e: {  	v7 =	vld [tilespmem:s13+$0x1400]  }
0x3f: {  	v6 =	vld [tilespmem:s13+$0x1410]  }
0x40: {  	v5 =	vld [tilespmem:s13+$0x1420]  }
0x41: {  	v4 =	vld [tilespmem:s13+$0x1430]  }
0x42: {  	v3 =	vld [tilespmem:s13+$0x1440]  }
0x43: {  	v48 =	vld [tilespmem:s13+$0x6000]  }
0x44: {  	v49 =	vld [tilespmem:s13+$0x6010]  }
0x45: {  	v50 =	vld [tilespmem:s13+$0x6020]  }
0x46: {  	v51 =	vld [tilespmem:s13+$0x6030]  }
0x47: {  	v52 =	vld [tilespmem:s13+$0x6040]  }
0x48: {  	v62 =	vld [tilespmem:s13+$0x6050];
	v9 =	vadd.f32 v9, v48  }
0x49: {  	v63 =	vld [tilespmem:s13+$0x6060];
	v10 =	vadd.f32 v10, v49  }
0x4a: {  	[tilespmem:s13+$0x6000] =	vst v9;
	v9 =	vadd.f32 v11, v50;
	v11 =	vld [tilespmem:s13+$0x6070]  }
0x4b: {  	[tilespmem:s13+$0x6010] =	vst v10;
	v10 =	vadd.f32 v12, v51;
	v12 =	vld [tilespmem:s13+$0x6400]  }
0x4c: {  	[tilespmem:s13+$0x6020] =	vst v9;
	v9 =	vadd.f32 v13, v52;
	v13 =	vld [tilespmem:s13+$0x6410]  }
0x4d: {  	[tilespmem:s13+$0x6030] =	vst v10;
	v10 =	vadd.f32 v14, v62;
	v14 =	vld [tilespmem:s13+$0x6420]  }
0x4e: {  	v2 =	vld [tilespmem:s13+$0x1450]  }
0x4f: {  	[tilespmem:s13+$0x6040] =	vst v9;
	v9 =	vadd.f32 v15, v63;
	v15 =	vld [tilespmem:s13+$0x6470]  }
0x50: {  	[tilespmem:s13+$0x6050] =	vst v10;
	v10 =	vadd.f32 v16, v11;
	v11 =	vld [tilespmem:s13+$0x6430]  }
0x51: {  	[tilespmem:s13+$0x6060] =	vst v9;
	v9 =	vadd.f32 v17, v12;
	v12 =	vld [tilespmem:s13+$0x6440]  }
0x52: {  	[tilespmem:s13+$0x6070] =	vst v10;
	v10 =	vadd.f32 v18, v13;
	v13 =	vadd.f32 v19, v14;
	v14 =	vld [tilespmem:s13+$0x6460]  }
0x53: {  	[tilespmem:s13+$0x6400] =	vst v9;
	v9 =	vld [tilespmem:s13+$0x6450]  }
0x54: {  	[tilespmem:s13+$0x6410] =	vst v10;
	v10 =	vld [tilespmem:s13+$0x6800];
	v15 =	vadd.f32 v24, v15  }
0x55: {  	[tilespmem:s13+$0x6420] =	vst v13;
	v13 =	vld [tilespmem:s13+$0x6810];
	v11 =	vadd.f32 v20, v11  }
0x56: {  	v1 =	vld [tilespmem:s13+$0x1460];
	v12 =	vadd.f32 v21, v12;
	[tilespmem:s13+$0x6470] =	vst v15  }
0x57: {  	[tilespmem:s13+$0x6430] =	vst v11;
	v11 =	vld [tilespmem:s13+$0x6820];
	v14 =	vadd.f32 v23, v14  }
0x58: {  	v9 =	vadd.f32 v22, v9;
	[tilespmem:s13+$0x6440] =	vst v12;
	v12 =	vld [tilespmem:s13+$0x6830]  }
0x59: {  	v15 =	vld [tilespmem:s13+$0x6870];
	[tilespmem:s13+$0x6460] =	vst v14;
	v10 =	vadd.f32 v25, v10  }
0x5a: {  	v13 =	vadd.f32 v26, v13;
	[tilespmem:s13+$0x6450] =	vst v9;
	v9 =	vld [tilespmem:s13+$0x6840]  }
0x5b: {  	v14 =	vld [tilespmem:s13+$0x6850];
	[tilespmem:s13+$0x6800] =	vst v10  }
0x5c: {  	[tilespmem:s13+$0x6810] =	vst v13;
	v13 =	vld [tilespmem:s13+$0x6860];
	v10 =	vadd.f32 v27, v11  }
0x5d: {  	v11 =	vld [tilespmem:s13+$0x6C00];
	v12 =	vadd.f32 v28, v12  }
0x5e: {  	[tilespmem:s13+$0x6820] =	vst v10;
	v10 =	vld [tilespmem:s13+$0x6C10]  }
0x5f: {  	v9 =	vadd.f32 v29, v9;
	[tilespmem:s13+$0x6830] =	vst v12;
	v12 =	vld [tilespmem:s13+$0x6C20]  }
0x60: {  	v0 =	vld [tilespmem:s13+$0x1470];
	v14 =	vadd.f32 v30, v14  }
0x61: {  	v13 =	vadd.f32 v31, v13;
	[tilespmem:s13+$0x6840] =	vst v9;
	v9 =	vld [tilespmem:s13+$0x6C30]  }
0x62: {  	[tilespmem:s13+$0x6850] =	vst v14;
	v14 =	vld [tilespmem:s13+$0x6C40];
	v11 =	vadd.f32 v33, v11  }
0x63: {  	v15 =	vadd.f32 v32, v15;
	[tilespmem:s13+$0x6860] =	vst v13;
	v13 =	vld [tilespmem:s13+$0x6C50]  }
0x64: {  	v10 =	vadd.f32 v34, v10;
	[tilespmem:s13+$0x6C00] =	vst v11;
	v11 =	vadd.f32 v35, v12;
	v12 =	vld [tilespmem:s13+$0x6C60]  }
0x65: {  	[tilespmem:s13+$0x6870] =	vst v15;
	v15 =	vld [tilespmem:s13+$0x6C70]  }
0x66: {  	[tilespmem:s13+$0x6C10] =	vst v10;
	v10 =	vld [tilespmem:s13+$0x7000];
	v9 =	vadd.f32 v36, v9  }
0x67: {  	v14 =	vadd.f32 v37, v14;
	[tilespmem:s13+$0x6C20] =	vst v11;
	v11 =	vld [tilespmem:s13+$0x7010]  }
0x68: {  	v13 =	vadd.f32 v38, v13;
	[tilespmem:s13+$0x6C30] =	vst v9;
	v9 =	vld [tilespmem:s13+$0x7020]  }
0x69: {  	[tilespmem:s13+$0x6C40] =	vst v14;
	v14 =	vld [tilespmem:s13+$0x7030];
	v12 =	vadd.f32 v39, v12  }
0x6a: {  	v16 =	vld [tilespmem:s13+$0x7040];
	[tilespmem:s13+$0x6C50] =	vst v13;
	v13 =	vadd.f32 v40, v15  }
0x6b: {  	v15 =	vld [tilespmem:s13+$0x7050];
	v10 =	vadd.f32 v41, v10;
	[tilespmem:s13+$0x6C60] =	vst v12  }
0x6c: {  	v17 =	vld [tilespmem:s13+$0x7060];
	[tilespmem:s13+$0x6C70] =	vst v13;
	v11 =	vadd.f32 v42, v11  }
0x6d: {  	v13 =	vld [tilespmem:s13+$0x7070];
	[tilespmem:s13+$0x7000] =	vst v10;
	v9 =	vadd.f32 v43, v9  }
0x6e: {  	v12 =	vld [tilespmem:s13+$0x7400];
	v10 =	vadd.f32 v44, v14;
	[tilespmem:s13+$0x7010] =	vst v11  }
0x6f: {  	v11 =	vld [tilespmem:s13+$0x7410];
	[tilespmem:s13+$0x7020] =	vst v9;
	v9 =	vadd.f32 v45, v16  }
0x70: {  	[tilespmem:s13+$0x7030] =	vst v10;
	v10 =	vld [tilespmem:s13+$0x7420];
	v15 =	vadd.f32 v46, v15  }
0x71: {  	s15 =	simm.s32 $0x1;
	v14 =	vadd.f32 v47, v17;
	[tilespmem:s13+$0x7040] =	vst v9;
	v9 =	vld [tilespmem:s13+$0x7430]  }
.LBB2_3:
0x72: {  	s16 =	sshrl.u32 s15, $0x3;
	p0 =	sne.s32 s15, $0x1F;
	[tilespmem:s13+$0x7050] =	vst v15;
	v8 =	vadd.f32 v8, v13;
	v13 =	vld [tilespmem:s13+$0x7440]  }
0x73: {  	s14 =	sadd.s32 $0x80, s14;
	s16 =	smul.u32 $0x1800, s16;
	[tilespmem:s13+$0x7060] =	vst v14;
	v7 =	vadd.f32 v7, v12;
	v12 =	vld [tilespmem:s13+$0x7450]  }
0x74: {  	s17 =	sand.u32 $0x380, s14;
	[tilespmem:s13+$0x7070] =	vst v8;
	v6 =	vadd.f32 v6, v11;
	v8 =	vld [tilespmem:s13+$0x7460]  }
0x75: {  	s16 =	sor.u32 s17, s16;
	[tilespmem:s13+$0x7400] =	vst v7;
	v5 =	vadd.f32 v5, v10;
	v7 =	vld [tilespmem:s13+$0x7470]  }
0x76: {  	v36 =	vld [tilespmem:s16+$0x0];
	[tilespmem:s13+$0x7410] =	vst v6;
	v4 =	vadd.f32 v4, v9  }
0x77: {  	v37 =	vld [tilespmem:s16+$0x10];
	[tilespmem:s13+$0x7420] =	vst v5;
	v3 =	vadd.f32 v3, v13  }
0x78: {  	v38 =	vld [tilespmem:s16+$0x20];
	[tilespmem:s13+$0x7430] =	vst v4;
	v2 =	vadd.f32 v2, v12  }
0x79: {  	v39 =	vld [tilespmem:s16+$0x30];
	[tilespmem:s13+$0x7440] =	vst v3;
	v1 =	vadd.f32 v1, v8  }
0x7a: {  	v40 =	vld [tilespmem:s16+$0x40];
	[tilespmem:s13+$0x7450] =	vst v2;
	v0 =	vadd.f32 v0, v7  }
0x7b: {  	v41 =	vld [tilespmem:s16+$0x50];
	[tilespmem:s13+$0x7460] =	vst v1  }
0x7c: {  	v42 =	vld [tilespmem:s16+$0x60];
	[tilespmem:s13+$0x7470] =	vst v0;
	s13 =	smov.u32 s16  }
0x7d: {  	v43 =	vld [tilespmem:s13+$0x70]  }
0x7e: {  	v44 =	vld [tilespmem:s13+$0x400]  }
0x7f: {  	v45 =	vld [tilespmem:s13+$0x410]  }
0x80: {  	v46 =	vld [tilespmem:s13+$0x420]  }
0x81: {  	v47 =	vld [tilespmem:s13+$0x430]  }
0x82: {  	v35 =	vld [tilespmem:s13+$0x440]  }
0x83: {  	v34 =	vld [tilespmem:s13+$0x450]  }
0x84: {  	v33 =	vld [tilespmem:s13+$0x460]  }
0x85: {  	v32 =	vld [tilespmem:s13+$0x470]  }
0x86: {  	v31 =	vld [tilespmem:s13+$0x800]  }
0x87: {  	v30 =	vld [tilespmem:s13+$0x810]  }
0x88: {  	v29 =	vld [tilespmem:s13+$0x820]  }
0x89: {  	v28 =	vld [tilespmem:s13+$0x830]  }
0x8a: {  	v27 =	vld [tilespmem:s13+$0x840]  }
0x8b: {  	v26 =	vld [tilespmem:s13+$0x850]  }
0x8c: {  	v25 =	vld [tilespmem:s13+$0x860]  }
0x8d: {  	v24 =	vld [tilespmem:s13+$0x870]  }
0x8e: {  	v23 =	vld [tilespmem:s13+$0xC00]  }
0x8f: {  	v22 =	vld [tilespmem:s13+$0xC10]  }
0x90: {  	v21 =	vld [tilespmem:s13+$0xC20]  }
0x91: {  	v20 =	vld [tilespmem:s13+$0xC30]  }
0x92: {  	v19 =	vld [tilespmem:s13+$0xC40]  }
0x93: {  	v18 =	vld [tilespmem:s13+$0xC50]  }
0x94: {  	v17 =	vld [tilespmem:s13+$0xC60]  }
0x95: {  	v16 =	vld [tilespmem:s13+$0xC70]  }
0x96: {  	v15 =	vld [tilespmem:s13+$0x1000]  }
0x97: {  	v14 =	vld [tilespmem:s13+$0x1010]  }
0x98: {  	v13 =	vld [tilespmem:s13+$0x1020]  }
0x99: {  	v12 =	vld [tilespmem:s13+$0x1030]  }
0x9a: {  	v11 =	vld [tilespmem:s13+$0x1040]  }
0x9b: {  	v10 =	vld [tilespmem:s13+$0x1050]  }
0x9c: {  	v9 =	vld [tilespmem:s13+$0x1060]  }
0x9d: {  	v8 =	vld [tilespmem:s13+$0x1070]  }
0x9e: {  	v7 =	vld [tilespmem:s13+$0x1400]  }
0x9f: {  	v6 =	vld [tilespmem:s13+$0x1410]  }
0xa0: {  	v5 =	vld [tilespmem:s13+$0x1420]  }
0xa1: {  	v4 =	vld [tilespmem:s13+$0x1430]  }
0xa2: {  	v3 =	vld [tilespmem:s13+$0x1440]  }
0xa3: {  	v2 =	vld [tilespmem:s13+$0x1450]  }
0xa4: {  	v1 =	vld [tilespmem:s13+$0x1460]  }
0xa5: {  	v0 =	vld [tilespmem:s13+$0x1470]  }
0xa6: {  	v48 =	vld [tilespmem:s13+$0x6000]  }
0xa7: {  	v49 =	vld [tilespmem:s13+$0x6010]  }
0xa8: {  	v50 =	vld [tilespmem:s13+$0x6020]  }
0xa9: {  	v51 =	vld [tilespmem:s13+$0x6030]  }
0xaa: {  	v52 =	vld [tilespmem:s13+$0x6040]  }
0xab: {  	v36 =	vadd.f32 v36, v48;
	v48 =	vld [tilespmem:s13+$0x6050]  }
0xac: {  	v37 =	vadd.f32 v37, v49;
	v49 =	vld [tilespmem:s13+$0x6060]  }
0xad: {  	[tilespmem:s13+$0x6000] =	vst v36;
	v36 =	vadd.f32 v38, v50;
	v38 =	vld [tilespmem:s13+$0x6070]  }
0xae: {  	[tilespmem:s13+$0x6010] =	vst v37;
	v37 =	vadd.f32 v39, v51;
	v39 =	vld [tilespmem:s13+$0x6400]  }
0xaf: {  	[tilespmem:s13+$0x6020] =	vst v36;
	v36 =	vadd.f32 v40, v52;
	v40 =	vld [tilespmem:s13+$0x6410]  }
0xb0: {  	[tilespmem:s13+$0x6030] =	vst v37;
	v37 =	vadd.f32 v41, v48;
	v41 =	vld [tilespmem:s13+$0x6420]  }
0xb1: {  	[tilespmem:s13+$0x6040] =	vst v36;
	v36 =	vadd.f32 v42, v49;
	v42 =	vld [tilespmem:s13+$0x6430]  }
0xb2: {  	[tilespmem:s13+$0x6050] =	vst v37;
	v37 =	vadd.f32 v43, v38;
	v38 =	vld [tilespmem:s13+$0x6440]  }
0xb3: {  	[tilespmem:s13+$0x6060] =	vst v36;
	v36 =	vadd.f32 v44, v39;
	v39 =	vld [tilespmem:s13+$0x6450]  }
0xb4: {  	[tilespmem:s13+$0x6070] =	vst v37;
	v37 =	vadd.f32 v45, v40;
	v40 =	vld [tilespmem:s13+$0x6460]  }
0xb5: {  	[tilespmem:s13+$0x6400] =	vst v36;
	v36 =	vadd.f32 v46, v41;
	v41 =	vld [tilespmem:s13+$0x6470]  }
0xb6: {  	[tilespmem:s13+$0x6410] =	vst v37;
	v37 =	vadd.f32 v47, v42;
	v42 =	vld [tilespmem:s13+$0x6800]  }
0xb7: {  	[tilespmem:s13+$0x6420] =	vst v36;
	v35 =	vadd.f32 v35, v38;
	v36 =	vld [tilespmem:s13+$0x6810]  }
0xb8: {  	[tilespmem:s13+$0x6430] =	vst v37;
	v34 =	vadd.f32 v34, v39;
	v37 =	vld [tilespmem:s13+$0x6820]  }
0xb9: {  	[tilespmem:s13+$0x6440] =	vst v35;
	v33 =	vadd.f32 v33, v40;
	v35 =	vld [tilespmem:s13+$0x6830]  }
0xba: {  	[tilespmem:s13+$0x6450] =	vst v34;
	v32 =	vadd.f32 v32, v41;
	v34 =	vld [tilespmem:s13+$0x6840]  }
0xbb: {  	[tilespmem:s13+$0x6460] =	vst v33;
	v31 =	vadd.f32 v31, v42;
	v33 =	vld [tilespmem:s13+$0x6850]  }
0xbc: {  	[tilespmem:s13+$0x6470] =	vst v32;
	v30 =	vadd.f32 v30, v36;
	v32 =	vld [tilespmem:s13+$0x6860]  }
0xbd: {  	[tilespmem:s13+$0x6800] =	vst v31;
	v29 =	vadd.f32 v29, v37;
	v31 =	vld [tilespmem:s13+$0x6870]  }
0xbe: {  	[tilespmem:s13+$0x6810] =	vst v30;
	v28 =	vadd.f32 v28, v35;
	v30 =	vld [tilespmem:s13+$0x6C00]  }
0xbf: {  	[tilespmem:s13+$0x6820] =	vst v29;
	v27 =	vadd.f32 v27, v34;
	v29 =	vld [tilespmem:s13+$0x6C10]  }
0xc0: {  	[tilespmem:s13+$0x6830] =	vst v28;
	v26 =	vadd.f32 v26, v33;
	v28 =	vld [tilespmem:s13+$0x6C20]  }
0xc1: {  	[tilespmem:s13+$0x6840] =	vst v27;
	v25 =	vadd.f32 v25, v32;
	v27 =	vld [tilespmem:s13+$0x6C30]  }
0xc2: {  	[tilespmem:s13+$0x6850] =	vst v26;
	v24 =	vadd.f32 v24, v31;
	v26 =	vld [tilespmem:s13+$0x6C40]  }
0xc3: {  	[tilespmem:s13+$0x6860] =	vst v25;
	v23 =	vadd.f32 v23, v30;
	v25 =	vld [tilespmem:s13+$0x6C50]  }
0xc4: {  	[tilespmem:s13+$0x6870] =	vst v24;
	v22 =	vadd.f32 v22, v29;
	v24 =	vld [tilespmem:s13+$0x6C60]  }
0xc5: {  	[tilespmem:s13+$0x6C00] =	vst v23;
	v21 =	vadd.f32 v21, v28;
	v23 =	vld [tilespmem:s13+$0x6C70]  }
0xc6: {  	[tilespmem:s13+$0x6C10] =	vst v22;
	v20 =	vadd.f32 v20, v27;
	v22 =	vld [tilespmem:s13+$0x7000]  }
0xc7: {  	[tilespmem:s13+$0x6C20] =	vst v21;
	v19 =	vadd.f32 v19, v26;
	v21 =	vld [tilespmem:s13+$0x7010]  }
0xc8: {  	[tilespmem:s13+$0x6C30] =	vst v20;
	v18 =	vadd.f32 v18, v25;
	v20 =	vld [tilespmem:s13+$0x7020]  }
0xc9: {  	[tilespmem:s13+$0x6C40] =	vst v19;
	v17 =	vadd.f32 v17, v24;
	v19 =	vld [tilespmem:s13+$0x7030]  }
0xca: {  	[tilespmem:s13+$0x6C50] =	vst v18;
	v16 =	vadd.f32 v16, v23;
	v18 =	vld [tilespmem:s13+$0x7040]  }
0xcb: {  	[tilespmem:s13+$0x6C60] =	vst v17;
	v15 =	vadd.f32 v15, v22;
	v17 =	vld [tilespmem:s13+$0x7050]  }
0xcc: {  	[tilespmem:s13+$0x6C70] =	vst v16;
	v14 =	vadd.f32 v14, v21;
	v16 =	vld [tilespmem:s13+$0x7060]  }
.Ltmp0:
0xcd: {  	[tilespmem:s13+$0x7000] =	vst v15;
	v15 =	vadd.f32 v13, v20;
	v13 =	vld [tilespmem:s13+$0x7070];
	(pc) =	sbr.rel @p0 .LBB2_3-.Ltmp0, $4  }
0xce: {  	[tilespmem:s13+$0x7010] =	vst v14;
	v14 =	vadd.f32 v12, v19;
	v12 =	vld [tilespmem:s13+$0x7400]  }
0xcf: {  	[tilespmem:s13+$0x7020] =	vst v15;
	v18 =	vadd.f32 v11, v18;
	v11 =	vld [tilespmem:s13+$0x7410]  }
0xd0: {  	[tilespmem:s13+$0x7030] =	vst v14;
	v15 =	vadd.f32 v10, v17;
	v10 =	vld [tilespmem:s13+$0x7420]  }
0xd1: {  	s15 =	sadd.s32 $0x1, s15;
	[tilespmem:s13+$0x7040] =	vst v18;
	v14 =	vadd.f32 v9, v16;
	v9 =	vld [tilespmem:s13+$0x7430]  }
0xd2: {  	[tilespmem:s13+$0x7050] =	vst v15;
	v60 =	vld [tilespmem:s13+$0x7440];
	v8 =	vadd.f32 v8, v13  }
0xd3: {  	v61 =	vld [tilespmem:s13+$0x7450];
	[tilespmem:s13+$0x7060] =	vst v14;
	v7 =	vadd.f32 v7, v12  }
0xd4: {  	v62 =	vld [tilespmem:s13+$0x7460];
	[tilespmem:s13+$0x7070] =	vst v8;
	v6 =	vadd.f32 v6, v11  }
0xd5: {  	v63 =	vld [tilespmem:s13+$0x7470];
	[tilespmem:s13+$0x7400] =	vst v7;
	v5 =	vadd.f32 v5, v10  }
0xd6: {  	[tilespmem:s13+$0x7410] =	vst v6;
	v4 =	vadd.f32 v4, v9  }
0xd7: {  	[tilespmem:s13+$0x7420] =	vst v5;
	v3 =	vadd.f32 v3, v60  }
0xd8: {  	v2 =	vadd.f32 v2, v61;
	[tilespmem:s13+$0x7430] =	vst v4  }
0xd9: {  	v1 =	vadd.f32 v1, v62;
	[tilespmem:s13+$0x7440] =	vst v3  }
0xda: {  	s11 =	sadd.s32 $0x1, s11;
	v0 =	vadd.f32 v0, v63;
	[tilespmem:s13+$0x7450] =	vst v2  }
0xdb: {  	p0 =	sne.s32 s11, $0x40;
	[tilespmem:s13+$0x7460] =	vst v1  }
.Ltmp1:
0xdc: {  	s12 =	sadd.s32 s3, s12;
	[tilespmem:s13+$0x7470] =	vst v0;
	(pc) =	sbr.rel @p0 .LBB2_2-.Ltmp1, $4  }
0xdd: {  	[hbm4b:s12+s5] =	stream.linear.scatter [tilespmem:s9], [sflag:$0x1], $0x6000, $0x38;
	[tilespmem:$0xC000] =	vst v63  }
0xde: {  	_ =	swait.ge [sflag:s8], $0x6000  }
0xdf: {  	[sflag:s8] =	ssyncset.done $0x0  }
0xe0: {  	[sflag:s8] =	ssyncadd.s32 $0xFFFFA000  }
0xe1: {  	s10 =	sadd.s32 $0x1, s10  }
0xe2: {  	p0 =	sne.s32 s10, s7  }
.Ltmp2:
0xe3: {  	_ = 	snop;
	(pc) =	sbr.rel @p0 .LBB2_1-.Ltmp2, $1  }
0xe4: {  	_ =	sdelay $0x3  }
0xe5: {  	_ =	sfence.sel $0x180000  }
0xe6: {  	[bflag:$0x0] =	sbarrier.arrive $0xFFFF  }
0xe7: {  	p0 =	sne.s32 s0, $0x0;
	_ =	strace $0x90000047  }
0xe8: {  	s0 =	sadd.s32 @!p0 $0x100000, s2;
	[bflag:$0x2] =	sbarrier.arrive $0xFFFF  }
0xe9: {  	[sflag:s0] =	ssyncadd.tile.s32 @!p0 $0x1;
	_ =	shalt  }
.Lfunc_end2:
_tile_overlayer_lowered:
.L_overlay_start_2:
0xea: {  	(tag) =	ssettag $0x2  }
0xeb: {  	s0 =	rddreg [dreg:$0x0];
	s2 =	stileid.u32  }
0xec: {  	s1 =	rddreg [dreg:$0x1];
	p0 =	sne.s32 s2, $0x0  }
0xed: {  	s3 =	rddreg [dreg:$0x2];
	[bflag:$0x3] =	sbarrier.arrive $0xFFFF;
	s2 =	simm.s32 @!p0 $0x1C01  }
0xee: {  	[timem:s3], [sflag:s2] =	dma.local @!p0 [hbm:s0], s1  }
0xef: {  	s0 =	simm.s32 @!p0 $0x1  }
0xf0: {  	_ =	swait.ge @!p0 [sflag:s0], s1  }
0xf1: {  	s1 =	ssub.s32 @!p0 $0x0, s1;
	[sflag:s0] =	ssyncset.done @!p0 $0x0  }
0xf2: {  	[sflag:s0] =	ssyncadd.s32 @!p0 s1  }
0xf3: {  	[bflag:$0x3] =	sbarrier.arrive $0xFFFF  }
0xf4: {  	_ =	shalt  }

</sc_bundles>
